<compile_context>
chip_gen: v7x
topology: tpu7x:2x2x1
jax: 0.10.2.dev20260603
libtpu: 0.0.44.dev20260713+nightly
codegen_flags: <defaults>
</compile_context>

<pallas_src>
import functools

import jax
import jax.numpy as jnp
from jax import lax
from jax.experimental import pallas as pl
from jax.experimental.pallas import tpu as pltpu
from jax.experimental.pallas import tpu_sc as plsc

N = 10000
D = 128
E = 320000
NC = 2
NS = 16
NW = NC * NS
CH = 128
EPT = 10240
NCH = EPT // CH
WIN = 16
NWIN = NCH // WIN
PAIRS = WIN // 2
EPAD = NW * EPT
NPAD = 10112
RPT = NPAD // NS

_mesh = plsc.VectorSubcoreMesh(core_axis_name="c", subcore_axis_name="s")


@functools.partial(
    pl.kernel,
    out_type=jax.ShapeDtypeStruct((NW, NPAD), jnp.float32),
    mesh=_mesh,
    scratch_types=[
        pltpu.VMEM((EPT,), jnp.int32),
        pltpu.VMEM((NPAD,), jnp.float32),
    ],
    compiler_params=pltpu.CompilerParams(needs_layout_passes=False),
)
def _deg(didx_hbm, out_hbm, didx_v, deg_v):
    c = lax.axis_index("c")
    s = lax.axis_index("s")
    wid = c * NS + s

    def zero(i, _):
        deg_v[pl.ds(i * 16, 16)] = jnp.zeros((16,), jnp.float32)
        return 0

    lax.fori_loop(0, NPAD // 16, zero, 0)
    pltpu.sync_copy(didx_hbm.at[wid], didx_v)
    ones = jnp.ones((16,), jnp.float32)

    def body(i, _):
        idx = didx_v[pl.ds(i * 16, 16)]
        plsc.addupdate_scatter(deg_v, [idx], ones)
        return 0

    lax.fori_loop(0, EPT // 16, body, 0)
    pltpu.sync_copy(deg_v, out_hbm.at[wid])


@functools.partial(
    pl.kernel,
    out_type=jax.ShapeDtypeStruct((NC, NPAD, D), jnp.float32),
    mesh=_mesh,
    scratch_types=[
        pltpu.VMEM_SHARED((NPAD, D), jnp.float32),
        pltpu.VMEM((NCH + 1, CH), jnp.int32),
        pltpu.VMEM((WIN, CH), jnp.int32),
        pltpu.VMEM((CH, D), jnp.float32),
        pltpu.VMEM((CH, D), jnp.float32),
        pltpu.SemaphoreType.DMA,
        pltpu.SemaphoreType.DMA,
    ],
)
def _edge(y_hbm, zeros_hbm, sidx_hbm, didx_hbm, out_hbm, acc, sidx_v, didx_w,
          rows0, rows1, gsem0, gsem1):
    c = lax.axis_index("c")
    s = lax.axis_index("s")
    wid = c * NS + s
    rs = s * RPT

    @pl.when(c == 0)
    def _():
        pltpu.sync_copy(y_hbm.at[pl.ds(rs, RPT)], acc.at[pl.ds(rs, RPT)])

    @pl.when(c != 0)
    def _():
        pltpu.sync_copy(zeros_hbm.at[pl.ds(rs, RPT)], acc.at[pl.ds(rs, RPT)])

    pltpu.sync_copy(sidx_hbm.at[wid], sidx_v)
    plsc.subcore_barrier()

    pltpu.async_copy(y_hbm.at[sidx_v.at[0]], rows0, gsem0)

    def wbody(w, _):
        pltpu.sync_copy(didx_hbm.at[wid].at[pl.ds(w * WIN, WIN)], didx_w)

        def body(i, _):
            j0 = w * WIN + 2 * i
            pltpu.async_copy(y_hbm.at[sidx_v.at[j0 + 1]], rows1, gsem1)
            pltpu.make_async_copy(
                y_hbm.at[sidx_v.at[j0]], rows0, gsem0).wait()
            pltpu.sync_copy(rows0, acc.at[didx_w.at[2 * i]], add=True)
            pltpu.async_copy(y_hbm.at[sidx_v.at[j0 + 2]], rows0, gsem0)
            pltpu.make_async_copy(
                y_hbm.at[sidx_v.at[j0 + 1]], rows1, gsem1).wait()
            pltpu.sync_copy(rows1, acc.at[didx_w.at[2 * i + 1]], add=True)
            return 0

        lax.fori_loop(0, PAIRS, body, 0)
        return 0

    lax.fori_loop(0, NWIN, wbody, 0)
    pltpu.make_async_copy(y_hbm.at[sidx_v.at[NCH]], rows0, gsem0).wait()
    plsc.subcore_barrier()
    pltpu.sync_copy(acc.at[pl.ds(rs, RPT)], out_hbm.at[c].at[pl.ds(rs, RPT)])


def _prep_body(parts_ref, feat_ref, dis_ref, y_ref):
    deg = jnp.sum(parts_ref[...], axis=0) + 1.0
    dis = lax.rsqrt(deg)
    dis_ref[...] = dis
    y_ref[...] = dis[:, None] * feat_ref[...]


def _comb_body(parts_ref, dis_ref, x1_ref, y2_ref):
    s = parts_ref[0] + parts_ref[1]
    dis = dis_ref[...]
    x1f = dis[:, None] * s
    x1_ref[...] = x1f[:N]
    y2_ref[...] = dis[:, None] * x1f


def _final_body(parts_ref, dis_ref, lin_ref, logp_ref, out_ref, x2_ref):
    s = parts_ref[0] + parts_ref[1]
    x2f = dis_ref[...][:, None] * s
    x2 = x2f[:N]
    o = jnp.dot(x2, lin_ref[...], preferred_element_type=jnp.float32)
    m = jnp.max(o, axis=1, keepdims=True)
    lse = m + jnp.log(jnp.sum(jnp.exp(o - m), axis=1, keepdims=True))
    logp_ref[...] = o - lse
    out_ref[...] = o
    x2_ref[...] = x2


_prep = pl.pallas_call(
    _prep_body,
    out_shape=[
        jax.ShapeDtypeStruct((NPAD,), jnp.float32),
        jax.ShapeDtypeStruct((NPAD, D), jnp.float32),
    ],
)

_comb = pl.pallas_call(
    _comb_body,
    out_shape=[
        jax.ShapeDtypeStruct((N, D), jnp.float32),
        jax.ShapeDtypeStruct((NPAD, D), jnp.float32),
    ],
)

_final = pl.pallas_call(
    _final_body,
    out_shape=[
        jax.ShapeDtypeStruct((N, D), jnp.float32),
        jax.ShapeDtypeStruct((N, D), jnp.float32),
        jax.ShapeDtypeStruct((N, D), jnp.float32),
    ],
)


@jax.jit
def kernel(features, edge_index, lin):
    src = edge_index[0]
    dst = edge_index[1]
    pad = EPAD - E
    ar = jnp.arange(pad, dtype=jnp.int32)
    srcp = jnp.concatenate([src, ar % N])
    dstp = jnp.concatenate([dst, N + ar % (NPAD - N)])
    dummy = jnp.broadcast_to(
        jnp.arange(CH, dtype=jnp.int32)[None, None, :], (NW, 1, CH))
    sidx = jnp.concatenate([srcp.reshape(NW, NCH, CH), dummy], axis=1)
    didx = dstp.reshape(NW, NCH, CH)
    didx_flat = dstp.reshape(NW, EPT)
    featp = jnp.concatenate(
        [features, jnp.zeros((NPAD - N, D), jnp.float32)])
    znodes = jnp.zeros((NPAD, D), jnp.float32)

    deg_parts = _deg(didx_flat)
    dis, y1 = _prep(deg_parts, featp)
    p1 = _edge(y1, znodes, sidx, didx)
    x1, y2 = _comb(p1, dis)
    p2 = _edge(y2, znodes, sidx, didx)
    logp, out, x2 = _final(p2, dis, lin)
    return (logp, out, x1, x2)

# --- scband reference (transcript-rebuilt; emitter-appended) ---
"""Pipeline reference for scband-simple-gcnaf-9474697855477 (READ-ONLY COPY).

The authoritative reference and input builder live on the scoring server;
editing this copy changes nothing except your own understanding.
"""

import jax, jax.numpy as jnp
import numpy as np

N_NODES = 10000
N_EDGES = 320000
IN_DIM = 128
OUT_DIM = 128
N_LAYER = 2


def setup_inputs(seed: int = 0) -> dict:
    key = jax.random.key(seed)
    k1, k2, k3 = jax.random.split(key, 3)
    features = jax.random.normal(k1, (N_NODES, IN_DIM), dtype=jnp.float32)
    edge_index = jax.random.randint(k2, (2, N_EDGES), 0, N_NODES, dtype=jnp.int32)
    # kaiming_uniform_ on [IN_DIM, OUT_DIM]: fan_in = IN_DIM, gain = sqrt(2), bound = sqrt(6/fan_in)
    bound = float(np.sqrt(6.0 / IN_DIM))
    lin = jax.random.uniform(k3, (IN_DIM, OUT_DIM), dtype=jnp.float32, minval=-bound, maxval=bound)
    return {"features": features, "edge_index": edge_index, "lin": lin}


def reference(features, edge_index, lin):
    # preprocess_adj: A_hat = D^{-1/2} (A + I) D^{-1/2} (standard GCN normalization)
    src = edge_index[0]
    dst = edge_index[1]
    loop = jnp.arange(N_NODES, dtype=src.dtype)
    src = jnp.concatenate([src, loop])
    dst = jnp.concatenate([dst, loop])
    deg = jnp.zeros((N_NODES,), dtype=jnp.float32).at[dst].add(1.0)
    d_inv_sqrt = jnp.where(deg > 0, 1.0 / jnp.sqrt(deg), 0.0)
    w = d_inv_sqrt[src] * d_inv_sqrt[dst]
    # eval mode: no sparse_dropout, no PCA, no AE, no enhanced_message_matrix
    X = features
    layerwise_feat_list = []
    for _ in range(N_LAYER):
        msg = X[src] * w[:, None]
        X = jnp.zeros((N_NODES, X.shape[1]), dtype=X.dtype).at[dst].add(msg)
        layerwise_feat_list.append(X)
    out = X @ lin
    logp = jax.nn.log_softmax(out, axis=1)
    return (logp, out, *layerwise_feat_list)

if __name__ == "__main__":
    import jax
    _d = setup_inputs()
    print(jax.jit(kernel)(*tuple(_d.values())))

</pallas_src>

<mosaic_0001>
#map = affine_map<(d0, d1) -> (0, 0)>
#map1 = affine_map<(d0, d1) -> (0, 0, 0)>
module attributes {stable_mosaic.version = 14 : i64} {
  func.func @_edge(%arg0: i32, %arg1: i32, %arg2: memref<10112x128xf32, #tpu.memory_space<hbm>>, %arg3: memref<10112x128xf32, #tpu.memory_space<hbm>>, %arg4: memref<32x81x128xi32, #tpu.memory_space<hbm>>, %arg5: memref<32x80x128xi32, #tpu.memory_space<hbm>>, %arg6: memref<2x10112x128xf32, #tpu.memory_space<hbm>>, %arg7: memref<10112x128xf32, #tpu.memory_space<vmem_shared>>, %arg8: memref<81x128xi32, #tpu.memory_space<vmem>>, %arg9: memref<16x128xi32, #tpu.memory_space<vmem>>, %arg10: memref<128x128xf32, #tpu.memory_space<vmem>>, %arg11: memref<128x128xf32, #tpu.memory_space<vmem>>, %arg12: memref<!tpu.dma_semaphore, #tpu.memory_space<semaphore_mem>>, %arg13: memref<!tpu.dma_semaphore, #tpu.memory_space<semaphore_mem>>) attributes {dimension_semantics = [#tpu.dimension_semantics<core_parallel>, #tpu.dimension_semantics<subcore_parallel>], iteration_bounds = array<i64: 2, 16>, scalar_prefetch = 0 : i64, scratch_operands = 7 : i64, tpu.core_type = #tpu.core_type<sc_vector_subcore>, window_params = [{transform_indices = #map}, {transform_indices = #map}, {transform_indices = #map1}, {transform_indices = #map1}, {transform_indices = #map1}]} {
    %mul3A = arith.constant 16 : i32
    %mul3A_0 = arith.muli %arg0, %mul3A : i32
    %add3A = arith.addi %mul3A_0, %arg1 : i32
    %mul3A_1 = arith.constant 632 : i32
    %mul3A_2 = arith.muli %arg1, %mul3A_1 : i32
    %eq3A = arith.constant 0 : i32
    %eq3A_3 = arith.cmpi eq, %arg0, %eq3A : i32
    %convert_element_type3A = arith.extui %eq3A_3 : i1 to i32
    %cond3A = arith.constant 0 : i32
    %cond3A_4 = arith.cmpi ne, %convert_element_type3A, %cond3A : i32
    scf.if %cond3A_4 {
      "tpu.region"() ({
        %run_scoped3A = tpu.sem_alloc : memref<!tpu.dma_semaphore, #tpu.memory_space<semaphore_mem>>
        %dma_start3A_28 = arith.constant 0 : i32
        %dma_start3A_29 = tpu.memref_slice %arg7[%mul3A_2, %dma_start3A_28] : memref<10112x128xf32, #tpu.memory_space<vmem_shared>> -> memref<632x128xf32, #tpu.memory_space<vmem_shared>>
        %dma_start3A_30 = arith.constant 0 : i32
        %dma_start3A_31 = tpu.memref_slice %arg2[%mul3A_2, %dma_start3A_30] : memref<10112x128xf32, #tpu.memory_space<hbm>> -> memref<632x128xf32, #tpu.memory_space<hbm>>
        tpu.enqueue_dma source(%dma_start3A_31 : memref<632x128xf32, #tpu.memory_space<hbm>>) target(%dma_start3A_29 : memref<632x128xf32, #tpu.memory_space<vmem_shared>>) target_semaphore(%run_scoped3A : memref<!tpu.dma_semaphore, #tpu.memory_space<semaphore_mem>>)
        %dma_wait3A_32 = arith.constant 0 : i32
        %dma_wait3A_33 = tpu.memref_slice %arg7[%mul3A_2, %dma_wait3A_32] : memref<10112x128xf32, #tpu.memory_space<vmem_shared>> -> memref<632x128xf32, #tpu.memory_space<vmem_shared>>
        %dma_wait3A_34 = arith.constant 0 : i32
        %dma_wait3A_35 = tpu.memref_slice %arg2[%mul3A_2, %dma_wait3A_34] : memref<10112x128xf32, #tpu.memory_space<hbm>> -> memref<632x128xf32, #tpu.memory_space<hbm>>
        tpu.wait_dma2 semaphore(%run_scoped3A : memref<!tpu.dma_semaphore, #tpu.memory_space<semaphore_mem>>) src(%dma_wait3A_35 : memref<632x128xf32, #tpu.memory_space<hbm>>) dst(%dma_wait3A_33 : memref<632x128xf32, #tpu.memory_space<vmem_shared>>)
        tpu.yield
      }) : () -> ()
    } else {
    }
    %ne3A = arith.constant 0 : i32
    %ne3A_5 = arith.cmpi ne, %arg0, %ne3A : i32
    %convert_element_type3A_6 = arith.extui %ne3A_5 : i1 to i32
    %cond3A_7 = arith.constant 0 : i32
    %cond3A_8 = arith.cmpi ne, %convert_element_type3A_6, %cond3A_7 : i32
    scf.if %cond3A_8 {
      "tpu.region"() ({
        %run_scoped3A = tpu.sem_alloc : memref<!tpu.dma_semaphore, #tpu.memory_space<semaphore_mem>>
        %dma_start3A_28 = arith.constant 0 : i32
        %dma_start3A_29 = tpu.memref_slice %arg7[%mul3A_2, %dma_start3A_28] : memref<10112x128xf32, #tpu.memory_space<vmem_shared>> -> memref<632x128xf32, #tpu.memory_space<vmem_shared>>
        %dma_start3A_30 = arith.constant 0 : i32
        %dma_start3A_31 = tpu.memref_slice %arg3[%mul3A_2, %dma_start3A_30] : memref<10112x128xf32, #tpu.memory_space<hbm>> -> memref<632x128xf32, #tpu.memory_space<hbm>>
        tpu.enqueue_dma source(%dma_start3A_31 : memref<632x128xf32, #tpu.memory_space<hbm>>) target(%dma_start3A_29 : memref<632x128xf32, #tpu.memory_space<vmem_shared>>) target_semaphore(%run_scoped3A : memref<!tpu.dma_semaphore, #tpu.memory_space<semaphore_mem>>)
        %dma_wait3A_32 = arith.constant 0 : i32
        %dma_wait3A_33 = tpu.memref_slice %arg7[%mul3A_2, %dma_wait3A_32] : memref<10112x128xf32, #tpu.memory_space<vmem_shared>> -> memref<632x128xf32, #tpu.memory_space<vmem_shared>>
        %dma_wait3A_34 = arith.constant 0 : i32
        %dma_wait3A_35 = tpu.memref_slice %arg3[%mul3A_2, %dma_wait3A_34] : memref<10112x128xf32, #tpu.memory_space<hbm>> -> memref<632x128xf32, #tpu.memory_space<hbm>>
        tpu.wait_dma2 semaphore(%run_scoped3A : memref<!tpu.dma_semaphore, #tpu.memory_space<semaphore_mem>>) src(%dma_wait3A_35 : memref<632x128xf32, #tpu.memory_space<hbm>>) dst(%dma_wait3A_33 : memref<632x128xf32, #tpu.memory_space<vmem_shared>>)
        tpu.yield
      }) : () -> ()
    } else {
    }
    "tpu.region"() ({
      %run_scoped3A = tpu.sem_alloc : memref<!tpu.dma_semaphore, #tpu.memory_space<semaphore_mem>>
      %dma_start3A_28 = arith.constant 0 : i32
      %dma_start3A_29 = arith.constant 0 : i32
      %dma_start3A_30 = tpu.memref_slice %arg4[%add3A, %dma_start3A_28, %dma_start3A_29] : memref<32x81x128xi32, #tpu.memory_space<hbm>> -> memref<1x81x128xi32, #tpu.memory_space<hbm>>
      %dma_start3A_31 = tpu.memref_squeeze %dma_start3A_30 : memref<1x81x128xi32, #tpu.memory_space<hbm>> -> memref<81x128xi32, #tpu.memory_space<hbm>>
      %dma_start3A_32 = arith.constant 0 : i32
      %dma_start3A_33 = arith.constant 0 : i32
      %dma_start3A_34 = tpu.memref_slice %arg4[%add3A, %dma_start3A_32, %dma_start3A_33] : memref<32x81x128xi32, #tpu.memory_space<hbm>> -> memref<1x81x128xi32, #tpu.memory_space<hbm>>
      %dma_start3A_35 = tpu.memref_squeeze %dma_start3A_34 : memref<1x81x128xi32, #tpu.memory_space<hbm>> -> memref<81x128xi32, #tpu.memory_space<hbm>>
      tpu.enqueue_dma source(%dma_start3A_35 : memref<81x128xi32, #tpu.memory_space<hbm>>) target(%arg8 : memref<81x128xi32, #tpu.memory_space<vmem>>) target_semaphore(%run_scoped3A : memref<!tpu.dma_semaphore, #tpu.memory_space<semaphore_mem>>)
      %dma_wait3A_36 = arith.constant 0 : i32
      %dma_wait3A_37 = arith.constant 0 : i32
      %dma_wait3A_38 = tpu.memref_slice %arg4[%add3A, %dma_wait3A_36, %dma_wait3A_37] : memref<32x81x128xi32, #tpu.memory_space<hbm>> -> memref<1x81x128xi32, #tpu.memory_space<hbm>>
      %dma_wait3A_39 = tpu.memref_squeeze %dma_wait3A_38 : memref<1x81x128xi32, #tpu.memory_space<hbm>> -> memref<81x128xi32, #tpu.memory_space<hbm>>
      %dma_wait3A_40 = arith.constant 0 : i32
      %dma_wait3A_41 = arith.constant 0 : i32
      %dma_wait3A_42 = tpu.memref_slice %arg4[%add3A, %dma_wait3A_40, %dma_wait3A_41] : memref<32x81x128xi32, #tpu.memory_space<hbm>> -> memref<1x81x128xi32, #tpu.memory_space<hbm>>
      %dma_wait3A_43 = tpu.memref_squeeze %dma_wait3A_42 : memref<1x81x128xi32, #tpu.memory_space<hbm>> -> memref<81x128xi32, #tpu.memory_space<hbm>>
      tpu.wait_dma2 semaphore(%run_scoped3A : memref<!tpu.dma_semaphore, #tpu.memory_space<semaphore_mem>>) src(%dma_wait3A_43 : memref<81x128xi32, #tpu.memory_space<hbm>>) dst(%arg8 : memref<81x128xi32, #tpu.memory_space<vmem>>)
      tpu.yield
    }) : () -> ()
    %barrier3A = arith.constant 0 : index
    tpu.barrier barrier_id(%barrier3A)
    %dma_start3A = arith.constant 0 : i32
    %dma_start3A_9 = arith.constant 0 : i32
    %dma_start3A_10 = tpu.memref_slice %arg8[%dma_start3A, %dma_start3A_9] : memref<81x128xi32, #tpu.memory_space<vmem>> -> memref<1x128xi32, #tpu.memory_space<vmem>>
    %dma_start3A_11 = tpu.memref_squeeze %dma_start3A_10 : memref<1x128xi32, #tpu.memory_space<vmem>> -> memref<128xi32, #tpu.memory_space<vmem>>
    %dma_start3A_12 = arith.constant 0 : i32
    %dma_start3A_13 = arith.constant 0 : i32
    %dma_start3A_14 = tpu.memref_slice %arg2[%dma_start3A_12, %dma_start3A_13] : memref<10112x128xf32, #tpu.memory_space<hbm>> -> memref<10112x128xf32, #tpu.memory_space<hbm>>
    tpu.enqueue_indirect_dma source(%dma_start3A_14 : memref<10112x128xf32, #tpu.memory_space<hbm>>) target(%arg10 : memref<128x128xf32, #tpu.memory_space<vmem>>) offsets(%dma_start3A_11 : memref<128xi32, #tpu.memory_space<vmem>>) semaphore(%arg12 : memref<!tpu.dma_semaphore, #tpu.memory_space<semaphore_mem>>)
    %scan3A = arith.constant 0 : i32
    %scan3A_15 = arith.constant 0 : i32
    %scan3A_16 = arith.constant 5 : i32
    %scan3A_17 = arith.addi %scan3A_15, %scan3A_16 : i32
    %scan3A_18 = arith.constant 1 : i32
    %scan3A_19 = scf.for %scan3A_28 = %scan3A_15 to %scan3A_17 step %scan3A_18 iter_args(%scan3A_29 = %scan3A) -> (i32)  : i32 {
      %mul3A_30 = arith.constant 16 : i32
      %mul3A_31 = arith.muli %scan3A_28, %mul3A_30 : i32
      "tpu.region"() ({
        %run_scoped3A = tpu.sem_alloc : memref<!tpu.dma_semaphore, #tpu.memory_space<semaphore_mem>>
        %dma_start3A_40 = arith.constant 0 : i32
        %dma_start3A_41 = arith.constant 0 : i32
        %dma_start3A_42 = tpu.memref_slice %arg5[%add3A, %dma_start3A_40, %dma_start3A_41] : memref<32x80x128xi32, #tpu.memory_space<hbm>> -> memref<1x80x128xi32, #tpu.memory_space<hbm>>
        %dma_start3A_43 = tpu.memref_squeeze %dma_start3A_42 : memref<1x80x128xi32, #tpu.memory_space<hbm>> -> memref<80x128xi32, #tpu.memory_space<hbm>>
        %dma_start3A_44 = arith.constant 0 : i32
        %dma_start3A_45 = tpu.memref_slice %dma_start3A_43[%mul3A_31, %dma_start3A_44] : memref<80x128xi32, #tpu.memory_space<hbm>> -> memref<16x128xi32, #tpu.memory_space<hbm>>
        %dma_start3A_46 = arith.constant 0 : i32
        %dma_start3A_47 = arith.constant 0 : i32
        %dma_start3A_48 = tpu.memref_slice %arg5[%add3A, %dma_start3A_46, %dma_start3A_47] : memref<32x80x128xi32, #tpu.memory_space<hbm>> -> memref<1x80x128xi32, #tpu.memory_space<hbm>>
        %dma_start3A_49 = tpu.memref_squeeze %dma_start3A_48 : memref<1x80x128xi32, #tpu.memory_space<hbm>> -> memref<80x128xi32, #tpu.memory_space<hbm>>
        %dma_start3A_50 = arith.constant 0 : i32
        %dma_start3A_51 = tpu.memref_slice %dma_start3A_49[%mul3A_31, %dma_start3A_50] : memref<80x128xi32, #tpu.memory_space<hbm>> -> memref<16x128xi32, #tpu.memory_space<hbm>>
        tpu.enqueue_dma source(%dma_start3A_51 : memref<16x128xi32, #tpu.memory_space<hbm>>) target(%arg9 : memref<16x128xi32, #tpu.memory_space<vmem>>) target_semaphore(%run_scoped3A : memref<!tpu.dma_semaphore, #tpu.memory_space<semaphore_mem>>)
        %dma_wait3A_52 = arith.constant 0 : i32
        %dma_wait3A_53 = arith.constant 0 : i32
        %dma_wait3A_54 = tpu.memref_slice %arg5[%add3A, %dma_wait3A_52, %dma_wait3A_53] : memref<32x80x128xi32, #tpu.memory_space<hbm>> -> memref<1x80x128xi32, #tpu.memory_space<hbm>>
        %dma_wait3A_55 = tpu.memref_squeeze %dma_wait3A_54 : memref<1x80x128xi32, #tpu.memory_space<hbm>> -> memref<80x128xi32, #tpu.memory_space<hbm>>
        %dma_wait3A_56 = arith.constant 0 : i32
        %dma_wait3A_57 = tpu.memref_slice %dma_wait3A_55[%mul3A_31, %dma_wait3A_56] : memref<80x128xi32, #tpu.memory_space<hbm>> -> memref<16x128xi32, #tpu.memory_space<hbm>>
        %dma_wait3A_58 = arith.constant 0 : i32
        %dma_wait3A_59 = arith.constant 0 : i32
        %dma_wait3A_60 = tpu.memref_slice %arg5[%add3A, %dma_wait3A_58, %dma_wait3A_59] : memref<32x80x128xi32, #tpu.memory_space<hbm>> -> memref<1x80x128xi32, #tpu.memory_space<hbm>>
        %dma_wait3A_61 = tpu.memref_squeeze %dma_wait3A_60 : memref<1x80x128xi32, #tpu.memory_space<hbm>> -> memref<80x128xi32, #tpu.memory_space<hbm>>
        %dma_wait3A_62 = arith.constant 0 : i32
        %dma_wait3A_63 = tpu.memref_slice %dma_wait3A_61[%mul3A_31, %dma_wait3A_62] : memref<80x128xi32, #tpu.memory_space<hbm>> -> memref<16x128xi32, #tpu.memory_space<hbm>>
        tpu.wait_dma2 semaphore(%run_scoped3A : memref<!tpu.dma_semaphore, #tpu.memory_space<semaphore_mem>>) src(%dma_wait3A_63 : memref<16x128xi32, #tpu.memory_space<hbm>>) dst(%arg9 : memref<16x128xi32, #tpu.memory_space<vmem>>)
        tpu.yield
      }) : () -> ()
      %scan3A_32 = arith.constant 0 : i32
      %scan3A_33 = arith.constant 0 : i32
      %scan3A_34 = arith.constant 8 : i32
      %scan3A_35 = arith.addi %scan3A_33, %scan3A_34 : i32
      %scan3A_36 = arith.constant 1 : i32
      %scan3A_37 = scf.for %scan3A_40 = %scan3A_33 to %scan3A_35 step %scan3A_36 iter_args(%scan3A_41 = %scan3A_32) -> (i32)  : i32 {
        %mul3A_42 = arith.constant 16 : i32
        %mul3A_43 = arith.muli %scan3A_28, %mul3A_42 : i32
        %mul3A_44 = arith.constant 2 : i32
        %mul3A_45 = arith.muli %mul3A_44, %scan3A_40 : i32
        %add3A_46 = arith.addi %mul3A_43, %mul3A_45 : i32
        %add3A_47 = arith.constant 1 : i32
        %add3A_48 = arith.addi %add3A_46, %add3A_47 : i32
        %dma_start3A_49 = arith.constant 0 : i32
        %dma_start3A_50 = tpu.memref_slice %arg8[%add3A_48, %dma_start3A_49] : memref<81x128xi32, #tpu.memory_space<vmem>> -> memref<1x128xi32, #tpu.memory_space<vmem>>
        %dma_start3A_51 = tpu.memref_squeeze %dma_start3A_50 : memref<1x128xi32, #tpu.memory_space<vmem>> -> memref<128xi32, #tpu.memory_space<vmem>>
        %dma_start3A_52 = arith.constant 0 : i32
        %dma_start3A_53 = arith.constant 0 : i32
        %dma_start3A_54 = tpu.memref_slice %arg2[%dma_start3A_52, %dma_start3A_53] : memref<10112x128xf32, #tpu.memory_space<hbm>> -> memref<10112x128xf32, #tpu.memory_space<hbm>>
        tpu.enqueue_indirect_dma source(%dma_start3A_54 : memref<10112x128xf32, #tpu.memory_space<hbm>>) target(%arg11 : memref<128x128xf32, #tpu.memory_space<vmem>>) offsets(%dma_start3A_51 : memref<128xi32, #tpu.memory_space<vmem>>) semaphore(%arg13 : memref<!tpu.dma_semaphore, #tpu.memory_space<semaphore_mem>>)
        %dma_wait3A_55 = arith.constant 0 : i32
        %dma_wait3A_56 = tpu.memref_slice %arg8[%add3A_46, %dma_wait3A_55] : memref<81x128xi32, #tpu.memory_space<vmem>> -> memref<1x128xi32, #tpu.memory_space<vmem>>
        %dma_wait3A_57 = tpu.memref_squeeze %dma_wait3A_56 : memref<1x128xi32, #tpu.memory_space<vmem>> -> memref<128xi32, #tpu.memory_space<vmem>>
        %dma_wait3A_58 = arith.constant 0 : i32
        %dma_wait3A_59 = arith.constant 0 : i32
        %dma_wait3A_60 = tpu.memref_slice %arg2[%dma_wait3A_58, %dma_wait3A_59] : memref<10112x128xf32, #tpu.memory_space<hbm>> -> memref<10112x128xf32, #tpu.memory_space<hbm>>
        tpu.wait_indirect_dma semaphore(%arg12 : memref<!tpu.dma_semaphore, #tpu.memory_space<semaphore_mem>>) src(%dma_wait3A_60 : memref<10112x128xf32, #tpu.memory_space<hbm>>) dst(%arg10 : memref<128x128xf32, #tpu.memory_space<vmem>>)
        %mul3A_61 = arith.constant 2 : i32
        %mul3A_62 = arith.muli %mul3A_61, %scan3A_40 : i32
        "tpu.region"() ({
          %run_scoped3A = tpu.sem_alloc : memref<!tpu.dma_semaphore, #tpu.memory_space<semaphore_mem>>
          %dma_start3A_84 = arith.constant 0 : i32
          %dma_start3A_85 = tpu.memref_slice %arg9[%mul3A_62, %dma_start3A_84] : memref<16x128xi32, #tpu.memory_space<vmem>> -> memref<1x128xi32, #tpu.memory_space<vmem>>
          %dma_start3A_86 = tpu.memref_squeeze %dma_start3A_85 : memref<1x128xi32, #tpu.memory_space<vmem>> -> memref<128xi32, #tpu.memory_space<vmem>>
          %dma_start3A_87 = arith.constant 0 : i32
          %dma_start3A_88 = arith.constant 0 : i32
          %dma_start3A_89 = tpu.memref_slice %arg7[%dma_start3A_87, %dma_start3A_88] : memref<10112x128xf32, #tpu.memory_space<vmem_shared>> -> memref<10112x128xf32, #tpu.memory_space<vmem_shared>>
          tpu.enqueue_indirect_dma source(%arg10 : memref<128x128xf32, #tpu.memory_space<vmem>>) target(%dma_start3A_89 : memref<10112x128xf32, #tpu.memory_space<vmem_shared>>) offsets(%dma_start3A_86 : memref<128xi32, #tpu.memory_space<vmem>>) semaphore(%run_scoped3A : memref<!tpu.dma_semaphore, #tpu.memory_space<semaphore_mem>>) {add = true}
          %dma_wait3A_90 = arith.constant 0 : i32
          %dma_wait3A_91 = tpu.memref_slice %arg9[%mul3A_62, %dma_wait3A_90] : memref<16x128xi32, #tpu.memory_space<vmem>> -> memref<1x128xi32, #tpu.memory_space<vmem>>
          %dma_wait3A_92 = tpu.memref_squeeze %dma_wait3A_91 : memref<1x128xi32, #tpu.memory_space<vmem>> -> memref<128xi32, #tpu.memory_space<vmem>>
          %dma_wait3A_93 = arith.constant 0 : i32
          %dma_wait3A_94 = arith.constant 0 : i32
          %dma_wait3A_95 = tpu.memref_slice %arg7[%dma_wait3A_93, %dma_wait3A_94] : memref<10112x128xf32, #tpu.memory_space<vmem_shared>> -> memref<10112x128xf32, #tpu.memory_space<vmem_shared>>
          tpu.wait_indirect_dma semaphore(%run_scoped3A : memref<!tpu.dma_semaphore, #tpu.memory_space<semaphore_mem>>) src(%arg10 : memref<128x128xf32, #tpu.memory_space<vmem>>) dst(%dma_wait3A_95 : memref<10112x128xf32, #tpu.memory_space<vmem_shared>>)
          tpu.yield
        }) : () -> ()
        %add3A_63 = arith.constant 2 : i32
        %add3A_64 = arith.addi %add3A_46, %add3A_63 : i32
        %dma_start3A_65 = arith.constant 0 : i32
        %dma_start3A_66 = tpu.memref_slice %arg8[%add3A_64, %dma_start3A_65] : memref<81x128xi32, #tpu.memory_space<vmem>> -> memref<1x128xi32, #tpu.memory_space<vmem>>
        %dma_start3A_67 = tpu.memref_squeeze %dma_start3A_66 : memref<1x128xi32, #tpu.memory_space<vmem>> -> memref<128xi32, #tpu.memory_space<vmem>>
        %dma_start3A_68 = arith.constant 0 : i32
        %dma_start3A_69 = arith.constant 0 : i32
        %dma_start3A_70 = tpu.memref_slice %arg2[%dma_start3A_68, %dma_start3A_69] : memref<10112x128xf32, #tpu.memory_space<hbm>> -> memref<10112x128xf32, #tpu.memory_space<hbm>>
        tpu.enqueue_indirect_dma source(%dma_start3A_70 : memref<10112x128xf32, #tpu.memory_space<hbm>>) target(%arg10 : memref<128x128xf32, #tpu.memory_space<vmem>>) offsets(%dma_start3A_67 : memref<128xi32, #tpu.memory_space<vmem>>) semaphore(%arg12 : memref<!tpu.dma_semaphore, #tpu.memory_space<semaphore_mem>>)
        %add3A_71 = arith.constant 1 : i32
        %add3A_72 = arith.addi %add3A_46, %add3A_71 : i32
        %dma_wait3A_73 = arith.constant 0 : i32
        %dma_wait3A_74 = tpu.memref_slice %arg8[%add3A_72, %dma_wait3A_73] : memref<81x128xi32, #tpu.memory_space<vmem>> -> memref<1x128xi32, #tpu.memory_space<vmem>>
        %dma_wait3A_75 = tpu.memref_squeeze %dma_wait3A_74 : memref<1x128xi32, #tpu.memory_space<vmem>> -> memref<128xi32, #tpu.memory_space<vmem>>
        %dma_wait3A_76 = arith.constant 0 : i32
        %dma_wait3A_77 = arith.constant 0 : i32
        %dma_wait3A_78 = tpu.memref_slice %arg2[%dma_wait3A_76, %dma_wait3A_77] : memref<10112x128xf32, #tpu.memory_space<hbm>> -> memref<10112x128xf32, #tpu.memory_space<hbm>>
        tpu.wait_indirect_dma semaphore(%arg13 : memref<!tpu.dma_semaphore, #tpu.memory_space<semaphore_mem>>) src(%dma_wait3A_78 : memref<10112x128xf32, #tpu.memory_space<hbm>>) dst(%arg11 : memref<128x128xf32, #tpu.memory_space<vmem>>)
        %mul3A_79 = arith.constant 2 : i32
        %mul3A_80 = arith.muli %mul3A_79, %scan3A_40 : i32
        %add3A_81 = arith.constant 1 : i32
        %add3A_82 = arith.addi %mul3A_80, %add3A_81 : i32
        "tpu.region"() ({
          %run_scoped3A = tpu.sem_alloc : memref<!tpu.dma_semaphore, #tpu.memory_space<semaphore_mem>>
          %dma_start3A_84 = arith.constant 0 : i32
          %dma_start3A_85 = tpu.memref_slice %arg9[%add3A_82, %dma_start3A_84] : memref<16x128xi32, #tpu.memory_space<vmem>> -> memref<1x128xi32, #tpu.memory_space<vmem>>
          %dma_start3A_86 = tpu.memref_squeeze %dma_start3A_85 : memref<1x128xi32, #tpu.memory_space<vmem>> -> memref<128xi32, #tpu.memory_space<vmem>>
          %dma_start3A_87 = arith.constant 0 : i32
          %dma_start3A_88 = arith.constant 0 : i32
          %dma_start3A_89 = tpu.memref_slice %arg7[%dma_start3A_87, %dma_start3A_88] : memref<10112x128xf32, #tpu.memory_space<vmem_shared>> -> memref<10112x128xf32, #tpu.memory_space<vmem_shared>>
          tpu.enqueue_indirect_dma source(%arg11 : memref<128x128xf32, #tpu.memory_space<vmem>>) target(%dma_start3A_89 : memref<10112x128xf32, #tpu.memory_space<vmem_shared>>) offsets(%dma_start3A_86 : memref<128xi32, #tpu.memory_space<vmem>>) semaphore(%run_scoped3A : memref<!tpu.dma_semaphore, #tpu.memory_space<semaphore_mem>>) {add = true}
          %dma_wait3A_90 = arith.constant 0 : i32
          %dma_wait3A_91 = tpu.memref_slice %arg9[%add3A_82, %dma_wait3A_90] : memref<16x128xi32, #tpu.memory_space<vmem>> -> memref<1x128xi32, #tpu.memory_space<vmem>>
          %dma_wait3A_92 = tpu.memref_squeeze %dma_wait3A_91 : memref<1x128xi32, #tpu.memory_space<vmem>> -> memref<128xi32, #tpu.memory_space<vmem>>
          %dma_wait3A_93 = arith.constant 0 : i32
          %dma_wait3A_94 = arith.constant 0 : i32
          %dma_wait3A_95 = tpu.memref_slice %arg7[%dma_wait3A_93, %dma_wait3A_94] : memref<10112x128xf32, #tpu.memory_space<vmem_shared>> -> memref<10112x128xf32, #tpu.memory_space<vmem_shared>>
          tpu.wait_indirect_dma semaphore(%run_scoped3A : memref<!tpu.dma_semaphore, #tpu.memory_space<semaphore_mem>>) src(%arg11 : memref<128x128xf32, #tpu.memory_space<vmem>>) dst(%dma_wait3A_95 : memref<10112x128xf32, #tpu.memory_space<vmem_shared>>)
          tpu.yield
        }) : () -> ()
        %scan3A_83 = arith.constant 0 : i32
        scf.yield %scan3A_83 : i32
      }
      %scan3A_38 = arith.constant 8 : i32
      %scan3A_39 = arith.constant 0 : i32
      scf.yield %scan3A_39 : i32
    }
    %scan3A_20 = arith.constant 5 : i32
    %dma_wait3A = arith.constant 80 : i32
    %dma_wait3A_21 = arith.constant 0 : i32
    %dma_wait3A_22 = tpu.memref_slice %arg8[%dma_wait3A, %dma_wait3A_21] : memref<81x128xi32, #tpu.memory_space<vmem>> -> memref<1x128xi32, #tpu.memory_space<vmem>>
    %dma_wait3A_23 = tpu.memref_squeeze %dma_wait3A_22 : memref<1x128xi32, #tpu.memory_space<vmem>> -> memref<128xi32, #tpu.memory_space<vmem>>
    %dma_wait3A_24 = arith.constant 0 : i32
    %dma_wait3A_25 = arith.constant 0 : i32
    %dma_wait3A_26 = tpu.memref_slice %arg2[%dma_wait3A_24, %dma_wait3A_25] : memref<10112x128xf32, #tpu.memory_space<hbm>> -> memref<10112x128xf32, #tpu.memory_space<hbm>>
    tpu.wait_indirect_dma semaphore(%arg12 : memref<!tpu.dma_semaphore, #tpu.memory_space<semaphore_mem>>) src(%dma_wait3A_26 : memref<10112x128xf32, #tpu.memory_space<hbm>>) dst(%arg10 : memref<128x128xf32, #tpu.memory_space<vmem>>)
    %barrier3A_27 = arith.constant 0 : index
    tpu.barrier barrier_id(%barrier3A_27)
    "tpu.region"() ({
      %run_scoped3A = tpu.sem_alloc : memref<!tpu.dma_semaphore, #tpu.memory_space<semaphore_mem>>
      %dma_start3A_28 = arith.constant 0 : i32
      %dma_start3A_29 = arith.constant 0 : i32
      %dma_start3A_30 = tpu.memref_slice %arg6[%arg0, %dma_start3A_28, %dma_start3A_29] : memref<2x10112x128xf32, #tpu.memory_space<hbm>> -> memref<1x10112x128xf32, #tpu.memory_space<hbm>>
      %dma_start3A_31 = tpu.memref_squeeze %dma_start3A_30 : memref<1x10112x128xf32, #tpu.memory_space<hbm>> -> memref<10112x128xf32, #tpu.memory_space<hbm>>
      %dma_start3A_32 = arith.constant 0 : i32
      %dma_start3A_33 = tpu.memref_slice %dma_start3A_31[%mul3A_2, %dma_start3A_32] : memref<10112x128xf32, #tpu.memory_space<hbm>> -> memref<632x128xf32, #tpu.memory_space<hbm>>
      %dma_start3A_34 = arith.constant 0 : i32
      %dma_start3A_35 = tpu.memref_slice %arg7[%mul3A_2, %dma_start3A_34] : memref<10112x128xf32, #tpu.memory_space<vmem_shared>> -> memref<632x128xf32, #tpu.memory_space<vmem_shared>>
      tpu.enqueue_dma source(%dma_start3A_35 : memref<632x128xf32, #tpu.memory_space<vmem_shared>>) target(%dma_start3A_33 : memref<632x128xf32, #tpu.memory_space<hbm>>) target_semaphore(%run_scoped3A : memref<!tpu.dma_semaphore, #tpu.memory_space<semaphore_mem>>)
      %dma_wait3A_36 = arith.constant 0 : i32
      %dma_wait3A_37 = arith.constant 0 : i32
      %dma_wait3A_38 = tpu.memref_slice %arg6[%arg0, %dma_wait3A_36, %dma_wait3A_37] : memref<2x10112x128xf32, #tpu.memory_space<hbm>> -> memref<1x10112x128xf32, #tpu.memory_space<hbm>>
      %dma_wait3A_39 = tpu.memref_squeeze %dma_wait3A_38 : memref<1x10112x128xf32, #tpu.memory_space<hbm>> -> memref<10112x128xf32, #tpu.memory_space<hbm>>
      %dma_wait3A_40 = arith.constant 0 : i32
      %dma_wait3A_41 = tpu.memref_slice %dma_wait3A_39[%mul3A_2, %dma_wait3A_40] : memref<10112x128xf32, #tpu.memory_space<hbm>> -> memref<632x128xf32, #tpu.memory_space<hbm>>
      %dma_wait3A_42 = arith.constant 0 : i32
      %dma_wait3A_43 = tpu.memref_slice %arg7[%mul3A_2, %dma_wait3A_42] : memref<10112x128xf32, #tpu.memory_space<vmem_shared>> -> memref<632x128xf32, #tpu.memory_space<vmem_shared>>
      tpu.wait_dma2 semaphore(%run_scoped3A : memref<!tpu.dma_semaphore, #tpu.memory_space<semaphore_mem>>) src(%dma_wait3A_43 : memref<632x128xf32, #tpu.memory_space<vmem_shared>>) dst(%dma_wait3A_41 : memref<632x128xf32, #tpu.memory_space<hbm>>)
      tpu.yield
    }) : () -> ()
    return
  }
}

#map = affine_map<(d0, d1) -> (0, 0)>
module attributes {stable_mosaic.version = 14 : i64} {
  func.func @_deg(%arg0: i32, %arg1: i32, %arg2: memref<32x10240xi32, #tpu.memory_space<hbm>>, %arg3: memref<32x10112xf32, #tpu.memory_space<hbm>>, %arg4: memref<10240xi32, #tpu.memory_space<vmem>>, %arg5: memref<10112xf32, #tpu.memory_space<vmem>>) attributes {dimension_semantics = [#tpu.dimension_semantics<core_parallel>, #tpu.dimension_semantics<subcore_parallel>], iteration_bounds = array<i64: 2, 16>, scalar_prefetch = 0 : i64, scratch_operands = 2 : i64, tpu.core_type = #tpu.core_type<sc_vector_subcore>, window_params = [{transform_indices = #map}, {transform_indices = #map}]} {
    %mul3A = arith.constant 16 : i32
    %mul3A_0 = arith.muli %arg0, %mul3A : i32
    %add3A = arith.addi %mul3A_0, %arg1 : i32
    %scan3A = arith.constant 0 : i32
    %scan3A_1 = arith.constant 0 : i32
    %scan3A_2 = arith.constant 632 : i32
    %scan3A_3 = arith.addi %scan3A_1, %scan3A_2 : i32
    %scan3A_4 = arith.constant 1 : i32
    %scan3A_5 = scf.for %scan3A_15 = %scan3A_1 to %scan3A_3 step %scan3A_4 iter_args(%scan3A_16 = %scan3A) -> (i32)  : i32 {
      %broadcast_in_dim3A_17 = arith.constant 0.000000e+00 : f32
      %broadcast_in_dim3A_18 = vector.broadcast %broadcast_in_dim3A_17 : f32 to vector<16xf32>
      %mul3A_19 = arith.constant 16 : i32
      %mul3A_20 = arith.muli %scan3A_15, %mul3A_19 : i32
      %swap3A = arith.index_cast %mul3A_20 : i32 to index
      %swap3A_21 = tpu.vector_load %arg5[%swap3A] {strides = array<i32>} : memref<10112xf32, #tpu.memory_space<vmem>>, vector<16xf32>,
      tpu.vector_store %arg5[%swap3A], %broadcast_in_dim3A_18 {strides = array<i32>} : memref<10112xf32, #tpu.memory_space<vmem>>, vector<16xf32>,
      %scan3A_22 = arith.constant 0 : i32
      scf.yield %scan3A_22 : i32
    }
    %scan3A_6 = arith.constant 632 : i32
    "tpu.region"() ({
      %run_scoped3A = tpu.sem_alloc : memref<!tpu.dma_semaphore, #tpu.memory_space<semaphore_mem>>
      %dma_start3A = arith.constant 0 : i32
      %dma_start3A_15 = tpu.memref_slice %arg2[%add3A, %dma_start3A] : memref<32x10240xi32, #tpu.memory_space<hbm>> -> memref<1x10240xi32, #tpu.memory_space<hbm>>
      %dma_start3A_16 = tpu.memref_squeeze %dma_start3A_15 : memref<1x10240xi32, #tpu.memory_space<hbm>> -> memref<10240xi32, #tpu.memory_space<hbm>>
      %dma_start3A_17 = arith.constant 0 : i32
      %dma_start3A_18 = tpu.memref_slice %arg2[%add3A, %dma_start3A_17] : memref<32x10240xi32, #tpu.memory_space<hbm>> -> memref<1x10240xi32, #tpu.memory_space<hbm>>
      %dma_start3A_19 = tpu.memref_squeeze %dma_start3A_18 : memref<1x10240xi32, #tpu.memory_space<hbm>> -> memref<10240xi32, #tpu.memory_space<hbm>>
      tpu.enqueue_dma source(%dma_start3A_19 : memref<10240xi32, #tpu.memory_space<hbm>>) target(%arg4 : memref<10240xi32, #tpu.memory_space<vmem>>) target_semaphore(%run_scoped3A : memref<!tpu.dma_semaphore, #tpu.memory_space<semaphore_mem>>)
      %dma_wait3A = arith.constant 0 : i32
      %dma_wait3A_20 = tpu.memref_slice %arg2[%add3A, %dma_wait3A] : memref<32x10240xi32, #tpu.memory_space<hbm>> -> memref<1x10240xi32, #tpu.memory_space<hbm>>
      %dma_wait3A_21 = tpu.memref_squeeze %dma_wait3A_20 : memref<1x10240xi32, #tpu.memory_space<hbm>> -> memref<10240xi32, #tpu.memory_space<hbm>>
      %dma_wait3A_22 = arith.constant 0 : i32
      %dma_wait3A_23 = tpu.memref_slice %arg2[%add3A, %dma_wait3A_22] : memref<32x10240xi32, #tpu.memory_space<hbm>> -> memref<1x10240xi32, #tpu.memory_space<hbm>>
      %dma_wait3A_24 = tpu.memref_squeeze %dma_wait3A_23 : memref<1x10240xi32, #tpu.memory_space<hbm>> -> memref<10240xi32, #tpu.memory_space<hbm>>
      tpu.wait_dma2 semaphore(%run_scoped3A : memref<!tpu.dma_semaphore, #tpu.memory_space<semaphore_mem>>) src(%dma_wait3A_24 : memref<10240xi32, #tpu.memory_space<hbm>>) dst(%arg4 : memref<10240xi32, #tpu.memory_space<vmem>>)
      tpu.yield
    }) : () -> ()
    %broadcast_in_dim3A = arith.constant 1.000000e+00 : f32
    %broadcast_in_dim3A_7 = vector.broadcast %broadcast_in_dim3A : f32 to vector<16xf32>
    %scan3A_8 = arith.constant 0 : i32
    %scan3A_9 = arith.constant 0 : i32
    %scan3A_10 = arith.constant 640 : i32
    %scan3A_11 = arith.addi %scan3A_9, %scan3A_10 : i32
    %scan3A_12 = arith.constant 1 : i32
    %scan3A_13 = scf.for %scan3A_15 = %scan3A_9 to %scan3A_11 step %scan3A_12 iter_args(%scan3A_16 = %scan3A_8) -> (i32)  : i32 {
      %mul3A_17 = arith.constant 16 : i32
      %mul3A_18 = arith.muli %scan3A_15, %mul3A_17 : i32
      %get3A = arith.index_cast %mul3A_18 : i32 to index
      %get3A_19 = tpu.vector_load %arg4[%get3A] {strides = array<i32>} : memref<10240xi32, #tpu.memory_space<vmem>>, vector<16xi32>,
      tpu.vector_store_idx %arg5[%get3A_19], %broadcast_in_dim3A_7 {add = true} : memref<10112xf32, #tpu.memory_space<vmem>>[vector<16xi32>], vector<16xf32>,
      %scan3A_20 = arith.constant 0 : i32
      scf.yield %scan3A_20 : i32
    }
    %scan3A_14 = arith.constant 640 : i32
    "tpu.region"() ({
      %run_scoped3A = tpu.sem_alloc : memref<!tpu.dma_semaphore, #tpu.memory_space<semaphore_mem>>
      %dma_start3A = arith.constant 0 : i32
      %dma_start3A_15 = tpu.memref_slice %arg3[%add3A, %dma_start3A] : memref<32x10112xf32, #tpu.memory_space<hbm>> -> memref<1x10112xf32, #tpu.memory_space<hbm>>
      %dma_start3A_16 = tpu.memref_squeeze %dma_start3A_15 : memref<1x10112xf32, #tpu.memory_space<hbm>> -> memref<10112xf32, #tpu.memory_space<hbm>>
      %dma_start3A_17 = arith.constant 0 : i32
      %dma_start3A_18 = tpu.memref_slice %arg3[%add3A, %dma_start3A_17] : memref<32x10112xf32, #tpu.memory_space<hbm>> -> memref<1x10112xf32, #tpu.memory_space<hbm>>
      %dma_start3A_19 = tpu.memref_squeeze %dma_start3A_18 : memref<1x10112xf32, #tpu.memory_space<hbm>> -> memref<10112xf32, #tpu.memory_space<hbm>>
      tpu.enqueue_dma source(%arg5 : memref<10112xf32, #tpu.memory_space<vmem>>) target(%dma_start3A_19 : memref<10112xf32, #tpu.memory_space<hbm>>) target_semaphore(%run_scoped3A : memref<!tpu.dma_semaphore, #tpu.memory_space<semaphore_mem>>)
      %dma_wait3A = arith.constant 0 : i32
      %dma_wait3A_20 = tpu.memref_slice %arg3[%add3A, %dma_wait3A] : memref<32x10112xf32, #tpu.memory_space<hbm>> -> memref<1x10112xf32, #tpu.memory_space<hbm>>
      %dma_wait3A_21 = tpu.memref_squeeze %dma_wait3A_20 : memref<1x10112xf32, #tpu.memory_space<hbm>> -> memref<10112xf32, #tpu.memory_space<hbm>>
      %dma_wait3A_22 = arith.constant 0 : i32
      %dma_wait3A_23 = tpu.memref_slice %arg3[%add3A, %dma_wait3A_22] : memref<32x10112xf32, #tpu.memory_space<hbm>> -> memref<1x10112xf32, #tpu.memory_space<hbm>>
      %dma_wait3A_24 = tpu.memref_squeeze %dma_wait3A_23 : memref<1x10112xf32, #tpu.memory_space<hbm>> -> memref<10112xf32, #tpu.memory_space<hbm>>
      tpu.wait_dma2 semaphore(%run_scoped3A : memref<!tpu.dma_semaphore, #tpu.memory_space<semaphore_mem>>) src(%arg5 : memref<10112xf32, #tpu.memory_space<vmem>>) dst(%dma_wait3A_24 : memref<10112xf32, #tpu.memory_space<hbm>>)
      tpu.yield
    }) : () -> ()
    return
  }
}

#map = affine_map<(d0, d1) -> (0, 0)>
#map1 = affine_map<(d0, d1) -> (0, 0, 0)>
module attributes {stable_mosaic.version = 14 : i64} {
  func.func @_edge(%arg0: i32, %arg1: i32, %arg2: memref<10112x128xf32, #tpu.memory_space<hbm>>, %arg3: memref<10112x128xf32, #tpu.memory_space<hbm>>, %arg4: memref<32x81x128xi32, #tpu.memory_space<hbm>>, %arg5: memref<32x80x128xi32, #tpu.memory_space<hbm>>, %arg6: memref<2x10112x128xf32, #tpu.memory_space<hbm>>, %arg7: memref<10112x128xf32, #tpu.memory_space<vmem_shared>>, %arg8: memref<81x128xi32, #tpu.memory_space<vmem>>, %arg9: memref<16x128xi32, #tpu.memory_space<vmem>>, %arg10: memref<128x128xf32, #tpu.memory_space<vmem>>, %arg11: memref<128x128xf32, #tpu.memory_space<vmem>>, %arg12: memref<!tpu.dma_semaphore, #tpu.memory_space<semaphore_mem>>, %arg13: memref<!tpu.dma_semaphore, #tpu.memory_space<semaphore_mem>>) attributes {dimension_semantics = [#tpu.dimension_semantics<core_parallel>, #tpu.dimension_semantics<subcore_parallel>], iteration_bounds = array<i64: 2, 16>, scalar_prefetch = 0 : i64, scratch_operands = 7 : i64, tpu.core_type = #tpu.core_type<sc_vector_subcore>, window_params = [{transform_indices = #map}, {transform_indices = #map}, {transform_indices = #map1}, {transform_indices = #map1}, {transform_indices = #map1}]} {
    %mul3A = arith.constant 16 : i32
    %mul3A_0 = arith.muli %arg0, %mul3A : i32
    %add3A = arith.addi %mul3A_0, %arg1 : i32
    %mul3A_1 = arith.constant 632 : i32
    %mul3A_2 = arith.muli %arg1, %mul3A_1 : i32
    %eq3A = arith.constant 0 : i32
    %eq3A_3 = arith.cmpi eq, %arg0, %eq3A : i32
    %convert_element_type3A = arith.extui %eq3A_3 : i1 to i32
    %cond3A = arith.constant 0 : i32
    %cond3A_4 = arith.cmpi ne, %convert_element_type3A, %cond3A : i32
    scf.if %cond3A_4 {
      "tpu.region"() ({
        %run_scoped3A = tpu.sem_alloc : memref<!tpu.dma_semaphore, #tpu.memory_space<semaphore_mem>>
        %dma_start3A_28 = arith.constant 0 : i32
        %dma_start3A_29 = tpu.memref_slice %arg7[%mul3A_2, %dma_start3A_28] : memref<10112x128xf32, #tpu.memory_space<vmem_shared>> -> memref<632x128xf32, #tpu.memory_space<vmem_shared>>
        %dma_start3A_30 = arith.constant 0 : i32
        %dma_start3A_31 = tpu.memref_slice %arg2[%mul3A_2, %dma_start3A_30] : memref<10112x128xf32, #tpu.memory_space<hbm>> -> memref<632x128xf32, #tpu.memory_space<hbm>>
        tpu.enqueue_dma source(%dma_start3A_31 : memref<632x128xf32, #tpu.memory_space<hbm>>) target(%dma_start3A_29 : memref<632x128xf32, #tpu.memory_space<vmem_shared>>) target_semaphore(%run_scoped3A : memref<!tpu.dma_semaphore, #tpu.memory_space<semaphore_mem>>)
        %dma_wait3A_32 = arith.constant 0 : i32
        %dma_wait3A_33 = tpu.memref_slice %arg7[%mul3A_2, %dma_wait3A_32] : memref<10112x128xf32, #tpu.memory_space<vmem_shared>> -> memref<632x128xf32, #tpu.memory_space<vmem_shared>>
        %dma_wait3A_34 = arith.constant 0 : i32
        %dma_wait3A_35 = tpu.memref_slice %arg2[%mul3A_2, %dma_wait3A_34] : memref<10112x128xf32, #tpu.memory_space<hbm>> -> memref<632x128xf32, #tpu.memory_space<hbm>>
        tpu.wait_dma2 semaphore(%run_scoped3A : memref<!tpu.dma_semaphore, #tpu.memory_space<semaphore_mem>>) src(%dma_wait3A_35 : memref<632x128xf32, #tpu.memory_space<hbm>>) dst(%dma_wait3A_33 : memref<632x128xf32, #tpu.memory_space<vmem_shared>>)
        tpu.yield
      }) : () -> ()
    } else {
    }
    %ne3A = arith.constant 0 : i32
    %ne3A_5 = arith.cmpi ne, %arg0, %ne3A : i32
    %convert_element_type3A_6 = arith.extui %ne3A_5 : i1 to i32
    %cond3A_7 = arith.constant 0 : i32
    %cond3A_8 = arith.cmpi ne, %convert_element_type3A_6, %cond3A_7 : i32
    scf.if %cond3A_8 {
      "tpu.region"() ({
        %run_scoped3A = tpu.sem_alloc : memref<!tpu.dma_semaphore, #tpu.memory_space<semaphore_mem>>
        %dma_start3A_28 = arith.constant 0 : i32
        %dma_start3A_29 = tpu.memref_slice %arg7[%mul3A_2, %dma_start3A_28] : memref<10112x128xf32, #tpu.memory_space<vmem_shared>> -> memref<632x128xf32, #tpu.memory_space<vmem_shared>>
        %dma_start3A_30 = arith.constant 0 : i32
        %dma_start3A_31 = tpu.memref_slice %arg3[%mul3A_2, %dma_start3A_30] : memref<10112x128xf32, #tpu.memory_space<hbm>> -> memref<632x128xf32, #tpu.memory_space<hbm>>
        tpu.enqueue_dma source(%dma_start3A_31 : memref<632x128xf32, #tpu.memory_space<hbm>>) target(%dma_start3A_29 : memref<632x128xf32, #tpu.memory_space<vmem_shared>>) target_semaphore(%run_scoped3A : memref<!tpu.dma_semaphore, #tpu.memory_space<semaphore_mem>>)
        %dma_wait3A_32 = arith.constant 0 : i32
        %dma_wait3A_33 = tpu.memref_slice %arg7[%mul3A_2, %dma_wait3A_32] : memref<10112x128xf32, #tpu.memory_space<vmem_shared>> -> memref<632x128xf32, #tpu.memory_space<vmem_shared>>
        %dma_wait3A_34 = arith.constant 0 : i32
        %dma_wait3A_35 = tpu.memref_slice %arg3[%mul3A_2, %dma_wait3A_34] : memref<10112x128xf32, #tpu.memory_space<hbm>> -> memref<632x128xf32, #tpu.memory_space<hbm>>
        tpu.wait_dma2 semaphore(%run_scoped3A : memref<!tpu.dma_semaphore, #tpu.memory_space<semaphore_mem>>) src(%dma_wait3A_35 : memref<632x128xf32, #tpu.memory_space<hbm>>) dst(%dma_wait3A_33 : memref<632x128xf32, #tpu.memory_space<vmem_shared>>)
        tpu.yield
      }) : () -> ()
    } else {
    }
    "tpu.region"() ({
      %run_scoped3A = tpu.sem_alloc : memref<!tpu.dma_semaphore, #tpu.memory_space<semaphore_mem>>
      %dma_start3A_28 = arith.constant 0 : i32
      %dma_start3A_29 = arith.constant 0 : i32
      %dma_start3A_30 = tpu.memref_slice %arg4[%add3A, %dma_start3A_28, %dma_start3A_29] : memref<32x81x128xi32, #tpu.memory_space<hbm>> -> memref<1x81x128xi32, #tpu.memory_space<hbm>>
      %dma_start3A_31 = tpu.memref_squeeze %dma_start3A_30 : memref<1x81x128xi32, #tpu.memory_space<hbm>> -> memref<81x128xi32, #tpu.memory_space<hbm>>
      %dma_start3A_32 = arith.constant 0 : i32
      %dma_start3A_33 = arith.constant 0 : i32
      %dma_start3A_34 = tpu.memref_slice %arg4[%add3A, %dma_start3A_32, %dma_start3A_33] : memref<32x81x128xi32, #tpu.memory_space<hbm>> -> memref<1x81x128xi32, #tpu.memory_space<hbm>>
      %dma_start3A_35 = tpu.memref_squeeze %dma_start3A_34 : memref<1x81x128xi32, #tpu.memory_space<hbm>> -> memref<81x128xi32, #tpu.memory_space<hbm>>
      tpu.enqueue_dma source(%dma_start3A_35 : memref<81x128xi32, #tpu.memory_space<hbm>>) target(%arg8 : memref<81x128xi32, #tpu.memory_space<vmem>>) target_semaphore(%run_scoped3A : memref<!tpu.dma_semaphore, #tpu.memory_space<semaphore_mem>>)
      %dma_wait3A_36 = arith.constant 0 : i32
      %dma_wait3A_37 = arith.constant 0 : i32
      %dma_wait3A_38 = tpu.memref_slice %arg4[%add3A, %dma_wait3A_36, %dma_wait3A_37] : memref<32x81x128xi32, #tpu.memory_space<hbm>> -> memref<1x81x128xi32, #tpu.memory_space<hbm>>
      %dma_wait3A_39 = tpu.memref_squeeze %dma_wait3A_38 : memref<1x81x128xi32, #tpu.memory_space<hbm>> -> memref<81x128xi32, #tpu.memory_space<hbm>>
      %dma_wait3A_40 = arith.constant 0 : i32
      %dma_wait3A_41 = arith.constant 0 : i32
      %dma_wait3A_42 = tpu.memref_slice %arg4[%add3A, %dma_wait3A_40, %dma_wait3A_41] : memref<32x81x128xi32, #tpu.memory_space<hbm>> -> memref<1x81x128xi32, #tpu.memory_space<hbm>>
      %dma_wait3A_43 = tpu.memref_squeeze %dma_wait3A_42 : memref<1x81x128xi32, #tpu.memory_space<hbm>> -> memref<81x128xi32, #tpu.memory_space<hbm>>
      tpu.wait_dma2 semaphore(%run_scoped3A : memref<!tpu.dma_semaphore, #tpu.memory_space<semaphore_mem>>) src(%dma_wait3A_43 : memref<81x128xi32, #tpu.memory_space<hbm>>) dst(%arg8 : memref<81x128xi32, #tpu.memory_space<vmem>>)
      tpu.yield
    }) : () -> ()
    %barrier3A = arith.constant 0 : index
    tpu.barrier barrier_id(%barrier3A)
    %dma_start3A = arith.constant 0 : i32
    %dma_start3A_9 = arith.constant 0 : i32
    %dma_start3A_10 = tpu.memref_slice %arg8[%dma_start3A, %dma_start3A_9] : memref<81x128xi32, #tpu.memory_space<vmem>> -> memref<1x128xi32, #tpu.memory_space<vmem>>
    %dma_start3A_11 = tpu.memref_squeeze %dma_start3A_10 : memref<1x128xi32, #tpu.memory_space<vmem>> -> memref<128xi32, #tpu.memory_space<vmem>>
    %dma_start3A_12 = arith.constant 0 : i32
    %dma_start3A_13 = arith.constant 0 : i32
    %dma_start3A_14 = tpu.memref_slice %arg2[%dma_start3A_12, %dma_start3A_13] : memref<10112x128xf32, #tpu.memory_space<hbm>> -> memref<10112x128xf32, #tpu.memory_space<hbm>>
    tpu.enqueue_indirect_dma source(%dma_start3A_14 : memref<10112x128xf32, #tpu.memory_space<hbm>>) target(%arg10 : memref<128x128xf32, #tpu.memory_space<vmem>>) offsets(%dma_start3A_11 : memref<128xi32, #tpu.memory_space<vmem>>) semaphore(%arg12 : memref<!tpu.dma_semaphore, #tpu.memory_space<semaphore_mem>>)
    %scan3A = arith.constant 0 : i32
    %scan3A_15 = arith.constant 0 : i32
    %scan3A_16 = arith.constant 5 : i32
    %scan3A_17 = arith.addi %scan3A_15, %scan3A_16 : i32
    %scan3A_18 = arith.constant 1 : i32
    %scan3A_19 = scf.for %scan3A_28 = %scan3A_15 to %scan3A_17 step %scan3A_18 iter_args(%scan3A_29 = %scan3A) -> (i32)  : i32 {
      %mul3A_30 = arith.constant 16 : i32
      %mul3A_31 = arith.muli %scan3A_28, %mul3A_30 : i32
      "tpu.region"() ({
        %run_scoped3A = tpu.sem_alloc : memref<!tpu.dma_semaphore, #tpu.memory_space<semaphore_mem>>
        %dma_start3A_40 = arith.constant 0 : i32
        %dma_start3A_41 = arith.constant 0 : i32
        %dma_start3A_42 = tpu.memref_slice %arg5[%add3A, %dma_start3A_40, %dma_start3A_41] : memref<32x80x128xi32, #tpu.memory_space<hbm>> -> memref<1x80x128xi32, #tpu.memory_space<hbm>>
        %dma_start3A_43 = tpu.memref_squeeze %dma_start3A_42 : memref<1x80x128xi32, #tpu.memory_space<hbm>> -> memref<80x128xi32, #tpu.memory_space<hbm>>
        %dma_start3A_44 = arith.constant 0 : i32
        %dma_start3A_45 = tpu.memref_slice %dma_start3A_43[%mul3A_31, %dma_start3A_44] : memref<80x128xi32, #tpu.memory_space<hbm>> -> memref<16x128xi32, #tpu.memory_space<hbm>>
        %dma_start3A_46 = arith.constant 0 : i32
        %dma_start3A_47 = arith.constant 0 : i32
        %dma_start3A_48 = tpu.memref_slice %arg5[%add3A, %dma_start3A_46, %dma_start3A_47] : memref<32x80x128xi32, #tpu.memory_space<hbm>> -> memref<1x80x128xi32, #tpu.memory_space<hbm>>
        %dma_start3A_49 = tpu.memref_squeeze %dma_start3A_48 : memref<1x80x128xi32, #tpu.memory_space<hbm>> -> memref<80x128xi32, #tpu.memory_space<hbm>>
        %dma_start3A_50 = arith.constant 0 : i32
        %dma_start3A_51 = tpu.memref_slice %dma_start3A_49[%mul3A_31, %dma_start3A_50] : memref<80x128xi32, #tpu.memory_space<hbm>> -> memref<16x128xi32, #tpu.memory_space<hbm>>
        tpu.enqueue_dma source(%dma_start3A_51 : memref<16x128xi32, #tpu.memory_space<hbm>>) target(%arg9 : memref<16x128xi32, #tpu.memory_space<vmem>>) target_semaphore(%run_scoped3A : memref<!tpu.dma_semaphore, #tpu.memory_space<semaphore_mem>>)
        %dma_wait3A_52 = arith.constant 0 : i32
        %dma_wait3A_53 = arith.constant 0 : i32
        %dma_wait3A_54 = tpu.memref_slice %arg5[%add3A, %dma_wait3A_52, %dma_wait3A_53] : memref<32x80x128xi32, #tpu.memory_space<hbm>> -> memref<1x80x128xi32, #tpu.memory_space<hbm>>
        %dma_wait3A_55 = tpu.memref_squeeze %dma_wait3A_54 : memref<1x80x128xi32, #tpu.memory_space<hbm>> -> memref<80x128xi32, #tpu.memory_space<hbm>>
        %dma_wait3A_56 = arith.constant 0 : i32
        %dma_wait3A_57 = tpu.memref_slice %dma_wait3A_55[%mul3A_31, %dma_wait3A_56] : memref<80x128xi32, #tpu.memory_space<hbm>> -> memref<16x128xi32, #tpu.memory_space<hbm>>
        %dma_wait3A_58 = arith.constant 0 : i32
        %dma_wait3A_59 = arith.constant 0 : i32
        %dma_wait3A_60 = tpu.memref_slice %arg5[%add3A, %dma_wait3A_58, %dma_wait3A_59] : memref<32x80x128xi32, #tpu.memory_space<hbm>> -> memref<1x80x128xi32, #tpu.memory_space<hbm>>
        %dma_wait3A_61 = tpu.memref_squeeze %dma_wait3A_60 : memref<1x80x128xi32, #tpu.memory_space<hbm>> -> memref<80x128xi32, #tpu.memory_space<hbm>>
        %dma_wait3A_62 = arith.constant 0 : i32
        %dma_wait3A_63 = tpu.memref_slice %dma_wait3A_61[%mul3A_31, %dma_wait3A_62] : memref<80x128xi32, #tpu.memory_space<hbm>> -> memref<16x128xi32, #tpu.memory_space<hbm>>
        tpu.wait_dma2 semaphore(%run_scoped3A : memref<!tpu.dma_semaphore, #tpu.memory_space<semaphore_mem>>) src(%dma_wait3A_63 : memref<16x128xi32, #tpu.memory_space<hbm>>) dst(%arg9 : memref<16x128xi32, #tpu.memory_space<vmem>>)
        tpu.yield
      }) : () -> ()
      %scan3A_32 = arith.constant 0 : i32
      %scan3A_33 = arith.constant 0 : i32
      %scan3A_34 = arith.constant 8 : i32
      %scan3A_35 = arith.addi %scan3A_33, %scan3A_34 : i32
      %scan3A_36 = arith.constant 1 : i32
      %scan3A_37 = scf.for %scan3A_40 = %scan3A_33 to %scan3A_35 step %scan3A_36 iter_args(%scan3A_41 = %scan3A_32) -> (i32)  : i32 {
        %mul3A_42 = arith.constant 16 : i32
        %mul3A_43 = arith.muli %scan3A_28, %mul3A_42 : i32
        %mul3A_44 = arith.constant 2 : i32
        %mul3A_45 = arith.muli %mul3A_44, %scan3A_40 : i32
        %add3A_46 = arith.addi %mul3A_43, %mul3A_45 : i32
        %add3A_47 = arith.constant 1 : i32
        %add3A_48 = arith.addi %add3A_46, %add3A_47 : i32
        %dma_start3A_49 = arith.constant 0 : i32
        %dma_start3A_50 = tpu.memref_slice %arg8[%add3A_48, %dma_start3A_49] : memref<81x128xi32, #tpu.memory_space<vmem>> -> memref<1x128xi32, #tpu.memory_space<vmem>>
        %dma_start3A_51 = tpu.memref_squeeze %dma_start3A_50 : memref<1x128xi32, #tpu.memory_space<vmem>> -> memref<128xi32, #tpu.memory_space<vmem>>
        %dma_start3A_52 = arith.constant 0 : i32
        %dma_start3A_53 = arith.constant 0 : i32
        %dma_start3A_54 = tpu.memref_slice %arg2[%dma_start3A_52, %dma_start3A_53] : memref<10112x128xf32, #tpu.memory_space<hbm>> -> memref<10112x128xf32, #tpu.memory_space<hbm>>
        tpu.enqueue_indirect_dma source(%dma_start3A_54 : memref<10112x128xf32, #tpu.memory_space<hbm>>) target(%arg11 : memref<128x128xf32, #tpu.memory_space<vmem>>) offsets(%dma_start3A_51 : memref<128xi32, #tpu.memory_space<vmem>>) semaphore(%arg13 : memref<!tpu.dma_semaphore, #tpu.memory_space<semaphore_mem>>)
        %dma_wait3A_55 = arith.constant 0 : i32
        %dma_wait3A_56 = tpu.memref_slice %arg8[%add3A_46, %dma_wait3A_55] : memref<81x128xi32, #tpu.memory_space<vmem>> -> memref<1x128xi32, #tpu.memory_space<vmem>>
        %dma_wait3A_57 = tpu.memref_squeeze %dma_wait3A_56 : memref<1x128xi32, #tpu.memory_space<vmem>> -> memref<128xi32, #tpu.memory_space<vmem>>
        %dma_wait3A_58 = arith.constant 0 : i32
        %dma_wait3A_59 = arith.constant 0 : i32
        %dma_wait3A_60 = tpu.memref_slice %arg2[%dma_wait3A_58, %dma_wait3A_59] : memref<10112x128xf32, #tpu.memory_space<hbm>> -> memref<10112x128xf32, #tpu.memory_space<hbm>>
        tpu.wait_indirect_dma semaphore(%arg12 : memref<!tpu.dma_semaphore, #tpu.memory_space<semaphore_mem>>) src(%dma_wait3A_60 : memref<10112x128xf32, #tpu.memory_space<hbm>>) dst(%arg10 : memref<128x128xf32, #tpu.memory_space<vmem>>)
        %mul3A_61 = arith.constant 2 : i32
        %mul3A_62 = arith.muli %mul3A_61, %scan3A_40 : i32
        "tpu.region"() ({
          %run_scoped3A = tpu.sem_alloc : memref<!tpu.dma_semaphore, #tpu.memory_space<semaphore_mem>>
          %dma_start3A_84 = arith.constant 0 : i32
          %dma_start3A_85 = tpu.memref_slice %arg9[%mul3A_62, %dma_start3A_84] : memref<16x128xi32, #tpu.memory_space<vmem>> -> memref<1x128xi32, #tpu.memory_space<vmem>>
          %dma_start3A_86 = tpu.memref_squeeze %dma_start3A_85 : memref<1x128xi32, #tpu.memory_space<vmem>> -> memref<128xi32, #tpu.memory_space<vmem>>
          %dma_start3A_87 = arith.constant 0 : i32
          %dma_start3A_88 = arith.constant 0 : i32
          %dma_start3A_89 = tpu.memref_slice %arg7[%dma_start3A_87, %dma_start3A_88] : memref<10112x128xf32, #tpu.memory_space<vmem_shared>> -> memref<10112x128xf32, #tpu.memory_space<vmem_shared>>
          tpu.enqueue_indirect_dma source(%arg10 : memref<128x128xf32, #tpu.memory_space<vmem>>) target(%dma_start3A_89 : memref<10112x128xf32, #tpu.memory_space<vmem_shared>>) offsets(%dma_start3A_86 : memref<128xi32, #tpu.memory_space<vmem>>) semaphore(%run_scoped3A : memref<!tpu.dma_semaphore, #tpu.memory_space<semaphore_mem>>) {add = true}
          %dma_wait3A_90 = arith.constant 0 : i32
          %dma_wait3A_91 = tpu.memref_slice %arg9[%mul3A_62, %dma_wait3A_90] : memref<16x128xi32, #tpu.memory_space<vmem>> -> memref<1x128xi32, #tpu.memory_space<vmem>>
          %dma_wait3A_92 = tpu.memref_squeeze %dma_wait3A_91 : memref<1x128xi32, #tpu.memory_space<vmem>> -> memref<128xi32, #tpu.memory_space<vmem>>
          %dma_wait3A_93 = arith.constant 0 : i32
          %dma_wait3A_94 = arith.constant 0 : i32
          %dma_wait3A_95 = tpu.memref_slice %arg7[%dma_wait3A_93, %dma_wait3A_94] : memref<10112x128xf32, #tpu.memory_space<vmem_shared>> -> memref<10112x128xf32, #tpu.memory_space<vmem_shared>>
          tpu.wait_indirect_dma semaphore(%run_scoped3A : memref<!tpu.dma_semaphore, #tpu.memory_space<semaphore_mem>>) src(%arg10 : memref<128x128xf32, #tpu.memory_space<vmem>>) dst(%dma_wait3A_95 : memref<10112x128xf32, #tpu.memory_space<vmem_shared>>)
          tpu.yield
        }) : () -> ()
        %add3A_63 = arith.constant 2 : i32
        %add3A_64 = arith.addi %add3A_46, %add3A_63 : i32
        %dma_start3A_65 = arith.constant 0 : i32
        %dma_start3A_66 = tpu.memref_slice %arg8[%add3A_64, %dma_start3A_65] : memref<81x128xi32, #tpu.memory_space<vmem>> -> memref<1x128xi32, #tpu.memory_space<vmem>>
        %dma_start3A_67 = tpu.memref_squeeze %dma_start3A_66 : memref<1x128xi32, #tpu.memory_space<vmem>> -> memref<128xi32, #tpu.memory_space<vmem>>
        %dma_start3A_68 = arith.constant 0 : i32
        %dma_start3A_69 = arith.constant 0 : i32
        %dma_start3A_70 = tpu.memref_slice %arg2[%dma_start3A_68, %dma_start3A_69] : memref<10112x128xf32, #tpu.memory_space<hbm>> -> memref<10112x128xf32, #tpu.memory_space<hbm>>
        tpu.enqueue_indirect_dma source(%dma_start3A_70 : memref<10112x128xf32, #tpu.memory_space<hbm>>) target(%arg10 : memref<128x128xf32, #tpu.memory_space<vmem>>) offsets(%dma_start3A_67 : memref<128xi32, #tpu.memory_space<vmem>>) semaphore(%arg12 : memref<!tpu.dma_semaphore, #tpu.memory_space<semaphore_mem>>)
        %add3A_71 = arith.constant 1 : i32
        %add3A_72 = arith.addi %add3A_46, %add3A_71 : i32
        %dma_wait3A_73 = arith.constant 0 : i32
        %dma_wait3A_74 = tpu.memref_slice %arg8[%add3A_72, %dma_wait3A_73] : memref<81x128xi32, #tpu.memory_space<vmem>> -> memref<1x128xi32, #tpu.memory_space<vmem>>
        %dma_wait3A_75 = tpu.memref_squeeze %dma_wait3A_74 : memref<1x128xi32, #tpu.memory_space<vmem>> -> memref<128xi32, #tpu.memory_space<vmem>>
        %dma_wait3A_76 = arith.constant 0 : i32
        %dma_wait3A_77 = arith.constant 0 : i32
        %dma_wait3A_78 = tpu.memref_slice %arg2[%dma_wait3A_76, %dma_wait3A_77] : memref<10112x128xf32, #tpu.memory_space<hbm>> -> memref<10112x128xf32, #tpu.memory_space<hbm>>
        tpu.wait_indirect_dma semaphore(%arg13 : memref<!tpu.dma_semaphore, #tpu.memory_space<semaphore_mem>>) src(%dma_wait3A_78 : memref<10112x128xf32, #tpu.memory_space<hbm>>) dst(%arg11 : memref<128x128xf32, #tpu.memory_space<vmem>>)
        %mul3A_79 = arith.constant 2 : i32
        %mul3A_80 = arith.muli %mul3A_79, %scan3A_40 : i32
        %add3A_81 = arith.constant 1 : i32
        %add3A_82 = arith.addi %mul3A_80, %add3A_81 : i32
        "tpu.region"() ({
          %run_scoped3A = tpu.sem_alloc : memref<!tpu.dma_semaphore, #tpu.memory_space<semaphore_mem>>
          %dma_start3A_84 = arith.constant 0 : i32
          %dma_start3A_85 = tpu.memref_slice %arg9[%add3A_82, %dma_start3A_84] : memref<16x128xi32, #tpu.memory_space<vmem>> -> memref<1x128xi32, #tpu.memory_space<vmem>>
          %dma_start3A_86 = tpu.memref_squeeze %dma_start3A_85 : memref<1x128xi32, #tpu.memory_space<vmem>> -> memref<128xi32, #tpu.memory_space<vmem>>
          %dma_start3A_87 = arith.constant 0 : i32
          %dma_start3A_88 = arith.constant 0 : i32
          %dma_start3A_89 = tpu.memref_slice %arg7[%dma_start3A_87, %dma_start3A_88] : memref<10112x128xf32, #tpu.memory_space<vmem_shared>> -> memref<10112x128xf32, #tpu.memory_space<vmem_shared>>
          tpu.enqueue_indirect_dma source(%arg11 : memref<128x128xf32, #tpu.memory_space<vmem>>) target(%dma_start3A_89 : memref<10112x128xf32, #tpu.memory_space<vmem_shared>>) offsets(%dma_start3A_86 : memref<128xi32, #tpu.memory_space<vmem>>) semaphore(%run_scoped3A : memref<!tpu.dma_semaphore, #tpu.memory_space<semaphore_mem>>) {add = true}
          %dma_wait3A_90 = arith.constant 0 : i32
          %dma_wait3A_91 = tpu.memref_slice %arg9[%add3A_82, %dma_wait3A_90] : memref<16x128xi32, #tpu.memory_space<vmem>> -> memref<1x128xi32, #tpu.memory_space<vmem>>
          %dma_wait3A_92 = tpu.memref_squeeze %dma_wait3A_91 : memref<1x128xi32, #tpu.memory_space<vmem>> -> memref<128xi32, #tpu.memory_space<vmem>>
          %dma_wait3A_93 = arith.constant 0 : i32
          %dma_wait3A_94 = arith.constant 0 : i32
          %dma_wait3A_95 = tpu.memref_slice %arg7[%dma_wait3A_93, %dma_wait3A_94] : memref<10112x128xf32, #tpu.memory_space<vmem_shared>> -> memref<10112x128xf32, #tpu.memory_space<vmem_shared>>
          tpu.wait_indirect_dma semaphore(%run_scoped3A : memref<!tpu.dma_semaphore, #tpu.memory_space<semaphore_mem>>) src(%arg11 : memref<128x128xf32, #tpu.memory_space<vmem>>) dst(%dma_wait3A_95 : memref<10112x128xf32, #tpu.memory_space<vmem_shared>>)
          tpu.yield
        }) : () -> ()
        %scan3A_83 = arith.constant 0 : i32
        scf.yield %scan3A_83 : i32
      }
      %scan3A_38 = arith.constant 8 : i32
      %scan3A_39 = arith.constant 0 : i32
      scf.yield %scan3A_39 : i32
    }
    %scan3A_20 = arith.constant 5 : i32
    %dma_wait3A = arith.constant 80 : i32
    %dma_wait3A_21 = arith.constant 0 : i32
    %dma_wait3A_22 = tpu.memref_slice %arg8[%dma_wait3A, %dma_wait3A_21] : memref<81x128xi32, #tpu.memory_space<vmem>> -> memref<1x128xi32, #tpu.memory_space<vmem>>
    %dma_wait3A_23 = tpu.memref_squeeze %dma_wait3A_22 : memref<1x128xi32, #tpu.memory_space<vmem>> -> memref<128xi32, #tpu.memory_space<vmem>>
    %dma_wait3A_24 = arith.constant 0 : i32
    %dma_wait3A_25 = arith.constant 0 : i32
    %dma_wait3A_26 = tpu.memref_slice %arg2[%dma_wait3A_24, %dma_wait3A_25] : memref<10112x128xf32, #tpu.memory_space<hbm>> -> memref<10112x128xf32, #tpu.memory_space<hbm>>
    tpu.wait_indirect_dma semaphore(%arg12 : memref<!tpu.dma_semaphore, #tpu.memory_space<semaphore_mem>>) src(%dma_wait3A_26 : memref<10112x128xf32, #tpu.memory_space<hbm>>) dst(%arg10 : memref<128x128xf32, #tpu.memory_space<vmem>>)
    %barrier3A_27 = arith.constant 0 : index
    tpu.barrier barrier_id(%barrier3A_27)
    "tpu.region"() ({
      %run_scoped3A = tpu.sem_alloc : memref<!tpu.dma_semaphore, #tpu.memory_space<semaphore_mem>>
      %dma_start3A_28 = arith.constant 0 : i32
      %dma_start3A_29 = arith.constant 0 : i32
      %dma_start3A_30 = tpu.memref_slice %arg6[%arg0, %dma_start3A_28, %dma_start3A_29] : memref<2x10112x128xf32, #tpu.memory_space<hbm>> -> memref<1x10112x128xf32, #tpu.memory_space<hbm>>
      %dma_start3A_31 = tpu.memref_squeeze %dma_start3A_30 : memref<1x10112x128xf32, #tpu.memory_space<hbm>> -> memref<10112x128xf32, #tpu.memory_space<hbm>>
      %dma_start3A_32 = arith.constant 0 : i32
      %dma_start3A_33 = tpu.memref_slice %dma_start3A_31[%mul3A_2, %dma_start3A_32] : memref<10112x128xf32, #tpu.memory_space<hbm>> -> memref<632x128xf32, #tpu.memory_space<hbm>>
      %dma_start3A_34 = arith.constant 0 : i32
      %dma_start3A_35 = tpu.memref_slice %arg7[%mul3A_2, %dma_start3A_34] : memref<10112x128xf32, #tpu.memory_space<vmem_shared>> -> memref<632x128xf32, #tpu.memory_space<vmem_shared>>
      tpu.enqueue_dma source(%dma_start3A_35 : memref<632x128xf32, #tpu.memory_space<vmem_shared>>) target(%dma_start3A_33 : memref<632x128xf32, #tpu.memory_space<hbm>>) target_semaphore(%run_scoped3A : memref<!tpu.dma_semaphore, #tpu.memory_space<semaphore_mem>>)
      %dma_wait3A_36 = arith.constant 0 : i32
      %dma_wait3A_37 = arith.constant 0 : i32
      %dma_wait3A_38 = tpu.memref_slice %arg6[%arg0, %dma_wait3A_36, %dma_wait3A_37] : memref<2x10112x128xf32, #tpu.memory_space<hbm>> -> memref<1x10112x128xf32, #tpu.memory_space<hbm>>
      %dma_wait3A_39 = tpu.memref_squeeze %dma_wait3A_38 : memref<1x10112x128xf32, #tpu.memory_space<hbm>> -> memref<10112x128xf32, #tpu.memory_space<hbm>>
      %dma_wait3A_40 = arith.constant 0 : i32
      %dma_wait3A_41 = tpu.memref_slice %dma_wait3A_39[%mul3A_2, %dma_wait3A_40] : memref<10112x128xf32, #tpu.memory_space<hbm>> -> memref<632x128xf32, #tpu.memory_space<hbm>>
      %dma_wait3A_42 = arith.constant 0 : i32
      %dma_wait3A_43 = tpu.memref_slice %arg7[%mul3A_2, %dma_wait3A_42] : memref<10112x128xf32, #tpu.memory_space<vmem_shared>> -> memref<632x128xf32, #tpu.memory_space<vmem_shared>>
      tpu.wait_dma2 semaphore(%run_scoped3A : memref<!tpu.dma_semaphore, #tpu.memory_space<semaphore_mem>>) src(%dma_wait3A_43 : memref<632x128xf32, #tpu.memory_space<vmem_shared>>) dst(%dma_wait3A_41 : memref<632x128xf32, #tpu.memory_space<hbm>>)
      tpu.yield
    }) : () -> ()
    return
  }
}

module attributes {stable_mosaic.version = 14 : i64} {
  func.func @_prep_body(%arg0: memref<32x10112xf32, #tpu.memory_space<vmem>>, %arg1: memref<10112x128xf32, #tpu.memory_space<vmem>>, %arg2: memref<10112xf32, #tpu.memory_space<vmem>>, %arg3: memref<10112x128xf32, #tpu.memory_space<vmem>>) attributes {dimension_semantics = [], scalar_prefetch = 0 : i64, scratch_operands = 0 : i64, tpu.core_type = #tpu.core_type<tc>} {
    %get3A = arith.constant 0 : index
    %get3A_0 = arith.constant 0 : index
    %get3A_1 = vector.load %arg0[%get3A, %get3A_0] : memref<32x10112xf32, #tpu.memory_space<vmem>>, vector<32x10112xf32>
    %reduce_sum3A = arith.constant dense<0.000000e+00> : vector<10112xf32>
    %reduce_sum3A_2 = vector.multi_reduction <add>, %get3A_1, %reduce_sum3A [0] : vector<32x10112xf32> to vector<10112xf32>
    %add3A = arith.constant 1.000000e+00 : f32
    %add3A_3 = vector.broadcast %add3A : f32 to vector<10112xf32>
    %add3A_4 = arith.addf %reduce_sum3A_2, %add3A_3 : vector<10112xf32>
    %rsqrt3A = math.rsqrt %add3A_4 : vector<10112xf32>
    %swap3A = arith.constant 0 : index
    %swap3A_5 = vector.load %arg2[%swap3A] : memref<10112xf32, #tpu.memory_space<vmem>>, vector<10112xf32>
    tpu.vector_store %arg2[%swap3A], %rsqrt3A {strides = array<i32>} : memref<10112xf32, #tpu.memory_space<vmem>>, vector<10112xf32>,
    %broadcast_in_dim3A = vector.shape_cast %rsqrt3A : vector<10112xf32> to vector<10112x1xf32>
    %get3A_6 = arith.constant 0 : index
    %get3A_7 = arith.constant 0 : index
    %get3A_8 = vector.load %arg1[%get3A_6, %get3A_7] : memref<10112x128xf32, #tpu.memory_space<vmem>>, vector<10112x128xf32>
    %mul3A = vector.broadcast %broadcast_in_dim3A : vector<10112x1xf32> to vector<10112x128xf32>
    %mul3A_9 = arith.mulf %mul3A, %get3A_8 : vector<10112x128xf32>
    %swap3A_10 = arith.constant 0 : index
    %swap3A_11 = arith.constant 0 : index
    %swap3A_12 = vector.load %arg3[%swap3A_10, %swap3A_11] : memref<10112x128xf32, #tpu.memory_space<vmem>>, vector<10112x128xf32>
    tpu.vector_store %arg3[%swap3A_10, %swap3A_11], %mul3A_9 {strides = array<i32>} : memref<10112x128xf32, #tpu.memory_space<vmem>>, vector<10112x128xf32>,
    return
  }
}

module attributes {stable_mosaic.version = 14 : i64} {
  func.func @_comb_body(%arg0: memref<2x10112x128xf32, #tpu.memory_space<vmem>>, %arg1: memref<10112xf32, #tpu.memory_space<vmem>>, %arg2: memref<10000x128xf32, #tpu.memory_space<vmem>>, %arg3: memref<10112x128xf32, #tpu.memory_space<vmem>>) attributes {dimension_semantics = [], scalar_prefetch = 0 : i64, scratch_operands = 0 : i64, tpu.core_type = #tpu.core_type<tc>} {
    %get3A = arith.constant 0 : index
    %get3A_0 = arith.constant 0 : index
    %get3A_1 = arith.constant 0 : index
    %get3A_2 = vector.load %arg0[%get3A, %get3A_0, %get3A_1] : memref<2x10112x128xf32, #tpu.memory_space<vmem>>, vector<1x10112x128xf32>
    %get3A_3 = vector.shape_cast %get3A_2 : vector<1x10112x128xf32> to vector<10112x128xf32>
    %get3A_4 = arith.constant 1 : index
    %get3A_5 = arith.constant 0 : index
    %get3A_6 = arith.constant 0 : index
    %get3A_7 = vector.load %arg0[%get3A_4, %get3A_5, %get3A_6] : memref<2x10112x128xf32, #tpu.memory_space<vmem>>, vector<1x10112x128xf32>
    %get3A_8 = vector.shape_cast %get3A_7 : vector<1x10112x128xf32> to vector<10112x128xf32>
    %add3A = arith.addf %get3A_3, %get3A_8 : vector<10112x128xf32>
    %get3A_9 = arith.constant 0 : index
    %get3A_10 = vector.load %arg1[%get3A_9] : memref<10112xf32, #tpu.memory_space<vmem>>, vector<10112xf32>
    %broadcast_in_dim3A = vector.shape_cast %get3A_10 : vector<10112xf32> to vector<10112x1xf32>
    %mul3A = vector.broadcast %broadcast_in_dim3A : vector<10112x1xf32> to vector<10112x128xf32>
    %mul3A_11 = arith.mulf %mul3A, %add3A : vector<10112x128xf32>
    %slice3A = vector.extract_strided_slice %mul3A_11 {offsets = [0, 0], sizes = [10000, 128], strides = [1, 1]} : vector<10112x128xf32> to vector<10000x128xf32>
    %swap3A = arith.constant 0 : index
    %swap3A_12 = arith.constant 0 : index
    %swap3A_13 = vector.load %arg2[%swap3A, %swap3A_12] : memref<10000x128xf32, #tpu.memory_space<vmem>>, vector<10000x128xf32>
    tpu.vector_store %arg2[%swap3A, %swap3A_12], %slice3A {strides = array<i32>} : memref<10000x128xf32, #tpu.memory_space<vmem>>, vector<10000x128xf32>,
    %broadcast_in_dim3A_14 = vector.shape_cast %get3A_10 : vector<10112xf32> to vector<10112x1xf32>
    %mul3A_15 = vector.broadcast %broadcast_in_dim3A_14 : vector<10112x1xf32> to vector<10112x128xf32>
    %mul3A_16 = arith.mulf %mul3A_15, %mul3A_11 : vector<10112x128xf32>
    %swap3A_17 = arith.constant 0 : index
    %swap3A_18 = arith.constant 0 : index
    %swap3A_19 = vector.load %arg3[%swap3A_17, %swap3A_18] : memref<10112x128xf32, #tpu.memory_space<vmem>>, vector<10112x128xf32>
    tpu.vector_store %arg3[%swap3A_17, %swap3A_18], %mul3A_16 {strides = array<i32>} : memref<10112x128xf32, #tpu.memory_space<vmem>>, vector<10112x128xf32>,
    return
  }
}

module attributes {stable_mosaic.version = 14 : i64} {
  func.func @_final_body(%arg0: memref<2x10112x128xf32, #tpu.memory_space<vmem>>, %arg1: memref<10112xf32, #tpu.memory_space<vmem>>, %arg2: memref<128x128xf32, #tpu.memory_space<vmem>>, %arg3: memref<10000x128xf32, #tpu.memory_space<vmem>>, %arg4: memref<10000x128xf32, #tpu.memory_space<vmem>>, %arg5: memref<10000x128xf32, #tpu.memory_space<vmem>>) attributes {dimension_semantics = [], scalar_prefetch = 0 : i64, scratch_operands = 0 : i64, tpu.core_type = #tpu.core_type<tc>} {
    %get3A = arith.constant 0 : index
    %get3A_0 = arith.constant 0 : index
    %get3A_1 = arith.constant 0 : index
    %get3A_2 = vector.load %arg0[%get3A, %get3A_0, %get3A_1] : memref<2x10112x128xf32, #tpu.memory_space<vmem>>, vector<1x10112x128xf32>
    %get3A_3 = vector.shape_cast %get3A_2 : vector<1x10112x128xf32> to vector<10112x128xf32>
    %get3A_4 = arith.constant 1 : index
    %get3A_5 = arith.constant 0 : index
    %get3A_6 = arith.constant 0 : index
    %get3A_7 = vector.load %arg0[%get3A_4, %get3A_5, %get3A_6] : memref<2x10112x128xf32, #tpu.memory_space<vmem>>, vector<1x10112x128xf32>
    %get3A_8 = vector.shape_cast %get3A_7 : vector<1x10112x128xf32> to vector<10112x128xf32>
    %add3A = arith.addf %get3A_3, %get3A_8 : vector<10112x128xf32>
    %get3A_9 = arith.constant 0 : index
    %get3A_10 = vector.load %arg1[%get3A_9] : memref<10112xf32, #tpu.memory_space<vmem>>, vector<10112xf32>
    %broadcast_in_dim3A = vector.shape_cast %get3A_10 : vector<10112xf32> to vector<10112x1xf32>
    %mul3A = vector.broadcast %broadcast_in_dim3A : vector<10112x1xf32> to vector<10112x128xf32>
    %mul3A_11 = arith.mulf %mul3A, %add3A : vector<10112x128xf32>
    %slice3A = vector.extract_strided_slice %mul3A_11 {offsets = [0, 0], sizes = [10000, 128], strides = [1, 1]} : vector<10112x128xf32> to vector<10000x128xf32>
    %get3A_12 = arith.constant 0 : index
    %get3A_13 = arith.constant 0 : index
    %get3A_14 = vector.load %arg2[%get3A_12, %get3A_13] : memref<128x128xf32, #tpu.memory_space<vmem>>, vector<128x128xf32>
    %dot_general3A = arith.constant dense<0.000000e+00> : vector<10000x128xf32>
    %dot_general3A_15 = tpu.matmul %slice3A, %get3A_14, %dot_general3A {dimension_numbers = #tpu.dot_dimension_numbers<[1], [0], [0], [1], [0, 0, 1, 1], [], []>, transpose_lhs_hint = false} : vector<10000x128xf32>, vector<128x128xf32>, vector<10000x128xf32> -> vector<10000x128xf32>
    %reduce_max3A = arith.constant dense<0xFF800000> : vector<10000xf32>
    %reduce_max3A_16 = vector.multi_reduction <maximumf>, %dot_general3A_15, %reduce_max3A [1] : vector<10000x128xf32> to vector<10000xf32>
    %broadcast_in_dim3A_17 = vector.shape_cast %reduce_max3A_16 : vector<10000xf32> to vector<10000x1xf32>
    %sub3A = vector.broadcast %broadcast_in_dim3A_17 : vector<10000x1xf32> to vector<10000x128xf32>
    %sub3A_18 = arith.subf %dot_general3A_15, %sub3A : vector<10000x128xf32>
    %exp3A = math.exp %sub3A_18 : vector<10000x128xf32>
    %reduce_sum3A = arith.constant dense<0.000000e+00> : vector<10000xf32>
    %reduce_sum3A_19 = vector.multi_reduction <add>, %exp3A, %reduce_sum3A [1] : vector<10000x128xf32> to vector<10000xf32>
    %broadcast_in_dim3A_20 = vector.shape_cast %reduce_sum3A_19 : vector<10000xf32> to vector<10000x1xf32>
    %log3A = math.log %broadcast_in_dim3A_20 : vector<10000x1xf32>
    %add3A_21 = arith.addf %broadcast_in_dim3A_17, %log3A : vector<10000x1xf32>
    %sub3A_22 = vector.broadcast %add3A_21 : vector<10000x1xf32> to vector<10000x128xf32>
    %sub3A_23 = arith.subf %dot_general3A_15, %sub3A_22 : vector<10000x128xf32>
    %swap3A = arith.constant 0 : index
    %swap3A_24 = arith.constant 0 : index
    %swap3A_25 = vector.load %arg3[%swap3A, %swap3A_24] : memref<10000x128xf32, #tpu.memory_space<vmem>>, vector<10000x128xf32>
    tpu.vector_store %arg3[%swap3A, %swap3A_24], %sub3A_23 {strides = array<i32>} : memref<10000x128xf32, #tpu.memory_space<vmem>>, vector<10000x128xf32>,
    %swap3A_26 = arith.constant 0 : index
    %swap3A_27 = arith.constant 0 : index
    %swap3A_28 = vector.load %arg4[%swap3A_26, %swap3A_27] : memref<10000x128xf32, #tpu.memory_space<vmem>>, vector<10000x128xf32>
    tpu.vector_store %arg4[%swap3A_26, %swap3A_27], %dot_general3A_15 {strides = array<i32>} : memref<10000x128xf32, #tpu.memory_space<vmem>>, vector<10000x128xf32>,
    %swap3A_29 = arith.constant 0 : index
    %swap3A_30 = arith.constant 0 : index
    %swap3A_31 = vector.load %arg5[%swap3A_29, %swap3A_30] : memref<10000x128xf32, #tpu.memory_space<vmem>>, vector<10000x128xf32>
    tpu.vector_store %arg5[%swap3A_29, %swap3A_30], %slice3A {strides = array<i32>} : memref<10000x128xf32, #tpu.memory_space<vmem>>, vector<10000x128xf32>,
    return
  }
}

</mosaic_0001>

<sc_bundles>
// kernel: kernel.11.cloned.1.call-start
scs
__scs_entry_jumppad:
0x0: {  	(pc) =	sbr.rel $0x88, $3  }
0x1: {  	(tag) =	ssettag $0x0;
	lr =	simm.s32 $0x1  }
0x2: {  	[smem:$0x3F9E] =	sst lr;
	_ =	strace $0xD0000000  }
0x3: {  	_ = 	snop  }
0x4: {  	_ = 	snop  }
0x5: {  	_ = 	snop  }
0x6: {  	_ = 	snop  }
0x7: {  	_ = 	snop  }
__scs_overlays_trampoline_lowered:
0x8: {  	[smem:$0x3FAD] =	sst s0  }
0x9: {  	[smem:$0x3FAE] =	sst s1  }
0xa: {  	[smem:$0x3FAF] =	sst s2  }
0xb: {  	[smem:$0x3FB0] =	sst s3  }
0xc: {  	[smem:$0x3FB1] =	sst s4  }
0xd: {  	[smem:$0x3FB2] =	sst s5  }
0xe: {  	[smem:$0x3FB3] =	sst s6  }
0xf: {  	[smem:$0x3FB4] =	sst s7  }
0x10: {  	[smem:$0x3FB5] =	sst s8  }
0x11: {  	[smem:$0x3FB6] =	sst s9;
	s0 =	simm.s32 @!p0 $0x0  }
0x12: {  	s1 =	sld [smem:$0x3F9C];
	s0 =	simm.s32 @p0 $0x1  }
0x13: {  	[smem:$0x3FB7] =	sst s0;
	s0 =	simm.s32 @!p1 $0x0  }
0x14: {  	s2 =	sld [smem:$0x3F9B];
	s0 =	simm.s32 @p1 $0x1  }
0x15: {  	[smem:$0x3FB8] =	sst s0;
	s0 =	simm.s32 @!p2 $0x0  }
0x16: {  	s3 =	sld [smem:$0x3FDB];
	s0 =	simm.s32 @p2 $0x1  }
0x17: {  	s4 =	simm.s32 $0x1BF5;
	[smem:$0x3FBA] =	sst s0  }
0x18: {  	s0 =	sld [smem:$0x3F9D];
	_ =	swait.ge [sflag:s4], $0x0  }
0x19: {  	s7 =	sld [smem:$0x3F9E]  }
0x1a: {  	s8 =	sadd.s32 $0xFFFFE003, lr  }
0x1b: {  	s9 =	sadd.s32 $0xFFFFFEF7, lr;
	s5 =	simm.s32 $0xFFFFFFFF;
	p2 =	slt.u32 s8, $0xFFFFF086  }
0x1c: {  	p1 =	slt.u32 s9, $0xF7A;
	s5 =	simm.s32 @!p2 $0x0  }
0x1d: {  	s5 =	simm.s32 @p1 $0x1;
	p0 =	seq.s32 s7, s2  }
0x1e: {  	s7 =	smul.u32 @!p0 $0xF7A, s2;
	p2 =	seq.s32 @!p0 s5, $0x0  }
0x1f: {  	s9 =	smul.u32 $0xF7A, s1;
	s8 =	simm.s32 @!p0 $0x1BF5;
	p2 =	por !p2, p0  }
0x20: {  	[sflag:s8] =	ssyncset.s32 @!p0 $0xFFFFF086;
	s6 =	sadd.s32 @!p0 s3, s7;
	s7 =	simm.s32 @!p0 $0x108  }
0x21: {  	s3 =	sadd.s32 s3, s9;
	s6 =	sadd.s32 @!p0 $0x88, s6;
	s7 =	simm.s32 @p2 $0x1082  }
0x22: {  	[simem:s7], [sflag:s8] =	dma.local @!p0 [hbm:s6], $0xF7A  }
0x23: {  	s9 =	sor.u32 $0xD0000000, s2;
	s6 =	simm.s32 $0x108;
	_ =	swait.ge @!p0 [sflag:s8], $0x0  }
0x24: {  	s3 =	sadd.s32 $0x88, s3;
	s6 =	simm.s32 @!p1 $0x1082;
	[sflag:s4] =	ssyncset.s32 $0xFFFFF086  }
0x25: {  	[simem:s6], [sflag:s4] =	dma.local [hbm:s3], $0xF7A  }
0x26: {  	[smem:$0x3F9E] =	sst s1;
	(tag) =	ssettag s2;
	_ =	strace s9  }
0x27: {  	s1 =	sld [smem:$0x3FAE]  }
0x28: {  	s2 =	sld [smem:$0x3FAF]  }
0x29: {  	s4 =	sld [smem:$0x3FB1]  }
0x2a: {  	p0 =	seq.s32 s5, $0x0;
	s5 =	sld [smem:$0x3FB2]  }
0x2b: {  	s6 =	sld [smem:$0x3FB3]  }
0x2c: {  	s7 =	sld [smem:$0x3FB4]  }
0x2d: {  	s3 =	simm.s32 $0x108;
	s8 =	sld [smem:$0x3FB5]  }
0x2e: {  	s3 =	simm.s32 @!p0 $0x1082;
	s9 =	sld [smem:$0x3FB6]  }
0x2f: {  	lr =	sadd.s32 s0, s3;
	s0 =	sld [smem:$0x3FAD]  }
0x30: {  	s3 =	sld [smem:$0x3FB0]  }
0x31: {  	[smem:$0x3FB9] =	sst s10  }
0x32: {  	s10 =	sld [smem:$0x3FB7];
	_ =	sdelay $0x3  }
0x33: {  	p0 =	seq.s32 s10, $0x1;
	s10 =	sld [smem:$0x3FB9];
	_ =	sdelay $0x3  }
0x34: {  	[smem:$0x3FB9] =	sst s10  }
0x35: {  	s10 =	sld [smem:$0x3FB8];
	_ =	sdelay $0x3  }
0x36: {  	p1 =	seq.s32 s10, $0x1;
	s10 =	sld [smem:$0x3FB9];
	_ =	sdelay $0x3  }
0x37: {  	[smem:$0x3FB9] =	sst s10  }
0x38: {  	s10 =	sld [smem:$0x3FBA]  }
0x39: {  	_ = 	snop;
	(pc) =	sbr.ind lr, $3  }
0x3a: {  	_ = 	snop  }
0x3b: {  	_ = 	snop  }
0x3c: {  	p2 =	seq.s32 s10, $0x1;
	s10 =	sld [smem:$0x3FB9]  }
0x3d: {  	_ =	shalt  }
0x3e: {  	_ =	shalt  }
0x3f: {  	_ =	shalt  }
0x40: {  	_ =	shalt  }
0x41: {  	_ =	shalt  }
0x42: {  	_ =	shalt  }
0x43: {  	_ =	shalt  }
0x44: {  	_ =	shalt  }
0x45: {  	_ =	shalt  }
0x46: {  	_ =	shalt  }
0x47: {  	_ =	shalt  }
0x48: {  	_ =	shalt  }
0x49: {  	_ =	shalt  }
0x4a: {  	_ =	shalt  }
0x4b: {  	_ =	shalt  }
0x4c: {  	_ =	shalt  }
0x4d: {  	_ =	shalt  }
0x4e: {  	_ =	shalt  }
0x4f: {  	_ =	shalt  }
0x50: {  	_ =	shalt  }
0x51: {  	_ =	shalt  }
0x52: {  	_ =	shalt  }
0x53: {  	_ =	shalt  }
0x54: {  	_ =	shalt  }
0x55: {  	_ =	shalt  }
0x56: {  	_ =	shalt  }
0x57: {  	_ =	shalt  }
0x58: {  	_ =	shalt  }
0x59: {  	_ =	shalt  }
0x5a: {  	_ =	shalt  }
0x5b: {  	_ =	shalt  }
0x5c: {  	_ =	shalt  }
0x5d: {  	_ =	shalt  }
0x5e: {  	_ =	shalt  }
0x5f: {  	_ =	shalt  }
0x60: {  	_ =	shalt  }
0x61: {  	_ =	shalt  }
0x62: {  	_ =	shalt  }
0x63: {  	_ =	shalt  }
0x64: {  	_ =	shalt  }
0x65: {  	_ =	shalt  }
0x66: {  	_ =	shalt  }
0x67: {  	_ =	shalt  }
0x68: {  	_ =	shalt  }
0x69: {  	_ =	shalt  }
0x6a: {  	_ =	shalt  }
0x6b: {  	_ =	shalt  }
0x6c: {  	_ =	shalt  }
0x6d: {  	_ =	shalt  }
0x6e: {  	_ =	shalt  }
0x6f: {  	_ =	shalt  }
0x70: {  	_ =	shalt  }
0x71: {  	_ =	shalt  }
0x72: {  	_ =	shalt  }
0x73: {  	_ =	shalt  }
0x74: {  	_ =	shalt  }
0x75: {  	_ =	shalt  }
0x76: {  	_ =	shalt  }
0x77: {  	_ =	shalt  }
0x78: {  	_ =	shalt  }
0x79: {  	_ =	shalt  }
0x7a: {  	_ =	shalt  }
0x7b: {  	_ =	shalt  }
0x7c: {  	_ =	shalt  }
0x7d: {  	_ =	shalt  }
0x7e: {  	_ =	shalt  }
0x7f: {  	_ =	shalt  }
0x80: {  	_ =	shalt  }
0x81: {  	_ =	shalt  }
0x82: {  	_ =	shalt  }
0x83: {  	_ =	shalt  }
0x84: {  	_ =	shalt  }
0x85: {  	_ =	shalt  }
0x86: {  	_ =	shalt  }
0x87: {  	_ =	shalt  }
.Lfunc_end0:
.L_simem_size_0:
called_computation.1_lowered:
.L_overlay_start_0:
0x88: {  	s2 =	sld [smem:$0x3FD9]  }
0x89: {  	s3 =	sld [smem:$0x3FFE];
	_ =	sdelay $0x1  }
0x8a: {  	s1 =	srdreg.scid  }
0x8b: {  	s0 =	sand.u32 $0x1, s1  }
0x8c: {  	s14 =	sshll.u32 s0, $0xA;
	s2 =	sadd.s32 s3, s2  }
0x8d: {  	s2 =	sadd.s32 s2, s14  }
0x8e: {  	[smem:$0x3FC5] =	sst s2  }
0x8f: {  	_ = 	snop  }
0x90: {  	s2 =	sld [smem:$0x3FD0];
	_ =	sdelay $0x2  }
0x91: {  	s15 =	simm.s32 $0xA;
	s4 =	simm.s32 $0x10  }
0x92: {  	[smem:s4], [sflag:s15] =	dma.local [hbm:s2], $0x1  }
0x93: {  	_ =	swait.eq [sflag:s15], $0x1  }
0x94: {  	[sflag:s15] =	ssyncset.done $0x0  }
0x95: {  	s16 =	sld [smem:$0x10];
	[sflag:s15] =	ssyncadd.s32 $0xFFFFFFFF  }
0x96: {  	s17 =	sld [smem:$0x13];
	(tm) =	ssettm $0x1  }
0x97: {  	s18 =	sld [smem:$0x3FFB];
	_ =	sdelay $0x3  }
0x98: {  	_ =	strace s18  }
0x99: {  	s4 =	sld [smem:$0x3FFC];
	_ =	sdelay $0x3  }
0x9a: {  	_ =	strace s4  }
0x9b: {  	s4 =	sld [smem:$0x3FFD];
	_ =	sdelay $0x3  }
0x9c: {  	_ =	strace s4  }
0x9d: {  	_ =	strace $0x8FFFFFFF  }
0x9e: {  	s19 =	sld [smem:$0x3FDB];
	_ =	sdelay $0x1  }
0x9f: {  	s5 =	simm.s32 $_scs_section_size  }
0xa0: {  	s6 =	simm.s32 $_size__tile_overlayer_lowered;
	s7 =	simm.s32 $_tile_overlayer_lowered  }
0xa1: {  	s22 =	simm.s32 $0x1BFF;
	s21 =	sshll.u32 s7, $0x1;
	s4 =	sadd.s32 s5, s19  }
0xa2: {  	s8 =	simm.s32 $0x0;
	s20 =	sshll.u32 s6, $0x1;
	s6 =	sadd.s32 s21, s4  }
0xa3: {  	[timem:s8], [sflag:s22] =	dma.local [hbm:s6], s20  }
0xa4: {  	_ =	swait.ge [sflag:s22], s20  }
0xa5: {  	s5 =	ssub.s32 $0x0, s20;
	[sflag:s22] =	ssyncset.done $0x0  }
0xa6: {  	[sflag:s22] =	ssyncadd.s32 s5;
	_ =	sdelay $0x1  }
0xa7: {  	s23 =	simm.s32 $0x1B8B  }
0xa8: {  	_ =	swait.ge [sflag:s23], $0x1  }
0xa9: {  	[sflag:s23] =	ssyncset.done $0x0  }
0xaa: {  	s25 =	simm.s32 $0x1B8E;
	s24 =	sld [smem:$0x3FFE];
	[sflag:s23] =	ssyncadd.s32 $0xFFFFFFFF  }
0xab: {  	s26 =	simm.s32 $execute0_lowered;
	[smem:$0x3FD2] =	sst s25  }
0xac: {  	s6 =	sshll.u32 s26, $0x1;
	_ =	strace $0x80000049;
	[dreg:$0x1] =	wrdreg $0xFFFFFFFF  }
0xad: {  	s28 =	simm.s32 $_size_execute0_lowered;
	s4 =	sadd.s32 s4, s6;
	[dreg:$0x0] =	wrdreg $0x0  }
0xae: {  	s6 =	sshll.u32 s28, $0x1;
	[dreg:$0x2] =	wrdreg s4  }
0xaf: {  	[dreg:$0x3] =	wrdreg s6  }
0xb0: {  	[dreg:$0x4] =	wrdreg $0xC0  }
0xb1: {  	_ =	task [dreg:s8], $0x5FFFF  }
0xb2: {  	[dreg:$0x1] =	wrdreg $0xFFFFFFFF  }
0xb3: {  	[dreg:$0x0] =	wrdreg $0x60  }
0xb4: {  	[dreg:$0x2] =	wrdreg s24  }
0xb5: {  	[dreg:$0x3] =	wrdreg s17  }
0xb6: {  	[dreg:$0x4] =	wrdreg s16  }
0xb7: {  	[dreg:$0x5] =	wrdreg $0x0  }
0xb8: {  	[dreg:$0x6] =	wrdreg $0x9  }
0xb9: {  	_ =	task.clear_ibuf [dreg:s8], $0x7FFFF;
	_ =	strace $0x90000049  }
0xba: {  	s29 =	simm.s32 $0x9;
	_ =	strace $0x8000004B  }
0xbb: {  	_ =	swait.ge [sflag:s29], $0x1  }
0xbc: {  	[sflag:s29] =	ssyncadd.s32 $0xFFFFFFFF  }
0xbd: {  	_ =	strace $0x9000004B  }
0xbe: {  	_ =	sfence  }
0xbf: {  	s30 =	sld [smem:$0x0];
	_ =	sdelay $0x2  }
0xc0: {  	s31 =	sshll.u32 s1, $0xD;
	s1 =	sshrl.u32 s1, $0x2  }
0xc1: {  	s3 =	sand.u32 $0x4000, s31;
	s1 =	sadd.s32 s1, s30  }
0xc2: {  	s0 =	sor.u32 s3, s0;
	s1 =	sshll.u32 s1, $0x11  }
0xc3: {  	s0 =	sor.u32 s1, s0  }
0xc4: {  	s0 =	sadd.s32 $0x8F2B, s0  }
0xc5: {  	[sflag:s0] =	ssyncadd.remote.s32 $0x1  }
0xc6: {  	_ =	sfence.sel $0xFFFF  }
0xc7: {  	[dreg:$0x0] =	wrdreg $0xFFFFFFFF;
	(pc) =	sbr.abs _section_cstart, $3  }
0xc8: {  	[dreg:$0x1] =	wrdreg $0xFFFFFFFF  }
0xc9: {  	_ =	task.clear_ibuf [dreg:s8], $0x2FFFF;
	_ =	strace $0x9FFFFFFF  }
0xca: {  	(tm) =	ssettm $0x7FFFFFFF  }
0xcb: {  	_ =	shalt  }
tec
execute0_lowered:
.L_overlay_start_1:
0x0: {  	(tag) =	ssettag $0x1  }
0x1: {  	s5 =	rddreg [dreg:$0x0]  }
0x2: {  	s6 =	rddreg [dreg:$0x1]  }
0x3: {  	s7 =	rddreg [dreg:$0x2]  }
0x4: {  	s1 =	rddreg [dreg:$0x3]  }
0x5: {  	s0 =	rddreg [dreg:$0x4];
	s2 =	simm.s32 $0x0;
	s3 =	srdreg.scid  }
0x6: {  	s21 =	simm.s32 $0x16880;
	s25 =	simm.s32 $0x16900;
	s26 =	simm.s32 $0x16980  }
0x7: {  	s28 =	simm.s32 $0x16A00;
	s29 =	simm.s32 $0x16A80;
	[smem:$0x7FF] =	sst s2  }
0x8: {  	s30 =	simm.s32 $0x16B00;
	_ =	strace $0x8000004A;
	[dreg:$0x5] =	wrdreg s21  }
0x9: {  	s15 =	simm.s32 $0x16B80;
	s16 =	simm.s32 $0x16C00;
	[dreg:$0x6] =	wrdreg s25  }
0xa: {  	s17 =	simm.s32 $0x16C80;
	s31 =	simm.s32 $0x16E00;
	[dreg:$0x7] =	wrdreg s26  }
0xb: {  	s8 =	sand.u32 $0x1, s3;
	s4 =	sadd.s32 $0x2200, s5;
	[dreg:$0x8] =	wrdreg s28  }
0xc: {  	s9 =	sadd.s32 $0x29A00, s5;
	s3 =	stileid.u32;
	[dreg:$0x9] =	wrdreg s29  }
0xd: {  	s10 =	smul.u32 $0x27800, s8;
	s11 =	ssub.s32 $0x2, s8;
	[dreg:$0xa] =	wrdreg s30  }
0xe: {  	s12 =	sshll.u32 s8, $0x4;
	s14 =	smul.u32 $0x4F000, s3;
	[dreg:$0xb] =	wrdreg s15  }
0xf: {  	p0 =	seq.s32 s8, $0x0;
	s22 =	smul.u32 $0x2780, s3;
	[dreg:$0xc] =	wrdreg s16  }
0x10: {  	s24 =	sshll.u32 s3, $0x6;
	s15 =	simm.s32 $0x16800;
	[dreg:$0xd] =	wrdreg s17  }
0x11: {  	s16 =	simm.s32 $0x1B000;
	s17 =	simm.s32 $0x1;
	[dreg:$0x10] =	wrdreg s31  }
0x12: {  	s21 =	simm.s32 $0x16F80;
	s13 =	sshrl.u32 s11, $0x1;
	s12 =	sor.u32 s3, s12  }
0x13: {  	s9 =	smov.u32 @p0 s4;
	s10 =	sadd.s32 s10, s5;
	s18 =	smul.u32 $0x580, s12  }
0x14: {  	s11 =	ssub.s32 s11, s13;
	s19 =	sshrl.u32 s14, $0x2;
	s12 =	smul.u32 $0x500, s12  }
0x15: {  	s8 =	sadd.s32 s9, s22;
	s9 =	sor.u32 $0x1C03, s24;
	s13 =	simm.s32 $0x80  }
0x16: {  	s14 =	simm.s32 $0x17000;
	s20 =	sadd.s32 s19, s1;
	s23 =	sadd.s32 $0x51200, s10  }
0x17: {  	s19 =	simm.s32 $0x16D80;
	s5 =	sadd.s32 s6, s18;
	s6 =	sadd.s32 s7, s12  }
0x18: {  	s7 =	smax.u32 s11, $0x1;
	s10 =	sshrl.u32 s20, $0x3;
	s11 =	simm.s32 $0x3  }
0x19: {  	s12 =	simm.s32 $0x13C00;
	s18 =	simm.s32 $0x16D00;
	[dreg:$0xf] =	wrdreg s19  }
0x1a: {  	s19 =	simm.s32 $0x16E80;
	s20 =	simm.s32 $0x16F00;
	s22 =	sadd.s32 s22, s23  }
0x1b: {  	s23 =	simm.s32 $0x0;
	[dreg:$0xe] =	wrdreg s18;
	s18 =	simm.s32 $0x2  }
.LBB2_1:
0x1c: {  	[spmem:s10], [sflag:s9] =	dma.local [hbm:s8], $0x2780  }
0x1d: {  	_ =	swait.ge [sflag:s11], $0x2780  }
0x1e: {  	[sflag:s11] =	ssyncset.done $0x0  }
0x1f: {  	[sflag:s11] =	ssyncadd.s32 $0xFFFFD880  }
0x20: {  	[tilespmem:s12], [sflag:$0x3] =	stream.linear.gather [hbm4b:s5+s2], $0x2880, $0x38;
	[tilespmem:$0x1F000] =	vst v63  }
0x21: {  	_ =	swait.ge [sflag:s11], $0x2880  }
0x22: {  	[sflag:s11] =	ssyncset.done $0x0  }
0x23: {  	[sflag:s11] =	ssyncadd.s32 $0xFFFFD780  }
0x24: {  	[bflag:$0x0] =	sbarrier.arrive $0xFFFF  }
0x25: {  	[tilespmem:s14], [sflag:$0x1] =	stream.indirect.gather [hbm4b:s4+s13], $0x80, s12, s13, $0xb8;
	[tilespmem:$0x1F000] =	vst v63  }
0x26: {  	_ = 	snop  }
0x27: {  	[tilespmem:s15], [sflag:$0x3] =	stream.linear.gather [hbm4b:s6+s2], $0x800, $0x38;
	[tilespmem:$0x1F000] =	vst v63  }
0x28: {  	_ =	swait.ge [sflag:s11], $0x800  }
0x29: {  	[sflag:s11] =	ssyncset.done $0x0  }
0x2a: {  	s24 =	simm.s32 $0x13C80;
	[sflag:s11] =	ssyncadd.s32 $0xFFFFF800  }
0x2b: {  	[tilespmem:s16], [sflag:$0x2] =	stream.indirect.gather [hbm4b:s4+s13], $0x80, s24, s13, $0xb8;
	[tilespmem:$0x1F000] =	vst v63  }
0x2c: {  	_ =	swait.ge [sflag:s17], $0x4000  }
0x2d: {  	[sflag:s17] =	ssyncset.done $0x0  }
0x2e: {  	[sflag:s17] =	ssyncadd.s32 $0xFFFFC000  }
0x2f: {  	[spmem:s1] =	stream.indirect.scatter.add.f32 [tilespmem:s14], [sflag:$0x3], $0x80, s15, s13, $0xb8;
	[tilespmem:$0x1F000] =	vst v63  }
0x30: {  	_ =	swait.ge [sflag:s11], $0x4000  }
0x31: {  	[sflag:s11] =	ssyncset.done $0x0  }
0x32: {  	s29 =	simm.s32 $0x13D00;
	[sflag:s11] =	ssyncadd.s32 $0xFFFFC000  }
0x33: {  	[tilespmem:s14], [sflag:$0x1] =	stream.indirect.gather [hbm4b:s4+s13], $0x80, s29, s13, $0xb8;
	[tilespmem:$0x1F000] =	vst v63  }
0x34: {  	_ =	swait.ge [sflag:s18], $0x4000  }
0x35: {  	[sflag:s18] =	ssyncset.done $0x0  }
0x36: {  	s30 =	rddreg [dreg:$0x5];
	[sflag:s18] =	ssyncadd.s32 $0xFFFFC000  }
0x37: {  	[spmem:s1] =	stream.indirect.scatter.add.f32 [tilespmem:s16], [sflag:$0x3], $0x80, s30, s13, $0xb8;
	[tilespmem:$0x1F000] =	vst v63  }
0x38: {  	_ =	swait.ge [sflag:s11], $0x4000  }
0x39: {  	[sflag:s11] =	ssyncset.done $0x0  }
0x3a: {  	s31 =	simm.s32 $0x13D80;
	[sflag:s11] =	ssyncadd.s32 $0xFFFFC000  }
0x3b: {  	[tilespmem:s16], [sflag:$0x2] =	stream.indirect.gather [hbm4b:s4+s13], $0x80, s31, s13, $0xb8;
	[tilespmem:$0x1F000] =	vst v63  }
0x3c: {  	_ =	swait.ge [sflag:s17], $0x4000  }
0x3d: {  	[sflag:s17] =	ssyncset.done $0x0  }
0x3e: {  	s25 =	rddreg [dreg:$0x6];
	[sflag:s17] =	ssyncadd.s32 $0xFFFFC000  }
0x3f: {  	[spmem:s1] =	stream.indirect.scatter.add.f32 [tilespmem:s14], [sflag:$0x3], $0x80, s25, s13, $0xb8;
	[tilespmem:$0x1F000] =	vst v63  }
0x40: {  	_ =	swait.ge [sflag:s11], $0x4000  }
0x41: {  	[sflag:s11] =	ssyncset.done $0x0  }
0x42: {  	s26 =	simm.s32 $0x13E00;
	[sflag:s11] =	ssyncadd.s32 $0xFFFFC000  }
0x43: {  	[tilespmem:s14], [sflag:$0x1] =	stream.indirect.gather [hbm4b:s4+s13], $0x80, s26, s13, $0xb8;
	[tilespmem:$0x1F000] =	vst v63  }
0x44: {  	_ =	swait.ge [sflag:s18], $0x4000  }
0x45: {  	[sflag:s18] =	ssyncset.done $0x0  }
0x46: {  	s28 =	rddreg [dreg:$0x7];
	[sflag:s18] =	ssyncadd.s32 $0xFFFFC000  }
0x47: {  	[spmem:s1] =	stream.indirect.scatter.add.f32 [tilespmem:s16], [sflag:$0x3], $0x80, s28, s13, $0xb8;
	[tilespmem:$0x1F000] =	vst v63  }
0x48: {  	_ =	swait.ge [sflag:s11], $0x4000  }
0x49: {  	[sflag:s11] =	ssyncset.done $0x0  }
0x4a: {  	s29 =	simm.s32 $0x13E80;
	[sflag:s11] =	ssyncadd.s32 $0xFFFFC000  }
0x4b: {  	[tilespmem:s16], [sflag:$0x2] =	stream.indirect.gather [hbm4b:s4+s13], $0x80, s29, s13, $0xb8;
	[tilespmem:$0x1F000] =	vst v63  }
0x4c: {  	_ =	swait.ge [sflag:s17], $0x4000  }
0x4d: {  	[sflag:s17] =	ssyncset.done $0x0  }
0x4e: {  	s30 =	rddreg [dreg:$0x8];
	[sflag:s17] =	ssyncadd.s32 $0xFFFFC000  }
0x4f: {  	[spmem:s1] =	stream.indirect.scatter.add.f32 [tilespmem:s14], [sflag:$0x3], $0x80, s30, s13, $0xb8;
	[tilespmem:$0x1F000] =	vst v63  }
0x50: {  	_ =	swait.ge [sflag:s11], $0x4000  }
0x51: {  	[sflag:s11] =	ssyncset.done $0x0  }
0x52: {  	s31 =	simm.s32 $0x13F00;
	[sflag:s11] =	ssyncadd.s32 $0xFFFFC000  }
0x53: {  	[tilespmem:s14], [sflag:$0x1] =	stream.indirect.gather [hbm4b:s4+s13], $0x80, s31, s13, $0xb8;
	[tilespmem:$0x1F000] =	vst v63  }
0x54: {  	_ =	swait.ge [sflag:s18], $0x4000  }
0x55: {  	[sflag:s18] =	ssyncset.done $0x0  }
0x56: {  	s25 =	rddreg [dreg:$0x9];
	[sflag:s18] =	ssyncadd.s32 $0xFFFFC000  }
0x57: {  	[spmem:s1] =	stream.indirect.scatter.add.f32 [tilespmem:s16], [sflag:$0x3], $0x80, s25, s13, $0xb8;
	[tilespmem:$0x1F000] =	vst v63  }
0x58: {  	_ =	swait.ge [sflag:s11], $0x4000  }
0x59: {  	[sflag:s11] =	ssyncset.done $0x0  }
0x5a: {  	s26 =	simm.s32 $0x13F80;
	[sflag:s11] =	ssyncadd.s32 $0xFFFFC000  }
0x5b: {  	[tilespmem:s16], [sflag:$0x2] =	stream.indirect.gather [hbm4b:s4+s13], $0x80, s26, s13, $0xb8;
	[tilespmem:$0x1F000] =	vst v63  }
0x5c: {  	_ =	swait.ge [sflag:s17], $0x4000  }
0x5d: {  	[sflag:s17] =	ssyncset.done $0x0  }
0x5e: {  	s28 =	rddreg [dreg:$0xa];
	[sflag:s17] =	ssyncadd.s32 $0xFFFFC000  }
0x5f: {  	[spmem:s1] =	stream.indirect.scatter.add.f32 [tilespmem:s14], [sflag:$0x3], $0x80, s28, s13, $0xb8;
	[tilespmem:$0x1F000] =	vst v63  }
0x60: {  	_ =	swait.ge [sflag:s11], $0x4000  }
0x61: {  	[sflag:s11] =	ssyncset.done $0x0  }
0x62: {  	s29 =	simm.s32 $0x14000;
	[sflag:s11] =	ssyncadd.s32 $0xFFFFC000  }
0x63: {  	[tilespmem:s14], [sflag:$0x1] =	stream.indirect.gather [hbm4b:s4+s13], $0x80, s29, s13, $0xb8;
	[tilespmem:$0x1F000] =	vst v63  }
0x64: {  	_ =	swait.ge [sflag:s18], $0x4000  }
0x65: {  	[sflag:s18] =	ssyncset.done $0x0  }
0x66: {  	s30 =	rddreg [dreg:$0xb];
	[sflag:s18] =	ssyncadd.s32 $0xFFFFC000  }
0x67: {  	[spmem:s1] =	stream.indirect.scatter.add.f32 [tilespmem:s16], [sflag:$0x3], $0x80, s30, s13, $0xb8;
	[tilespmem:$0x1F000] =	vst v63  }
0x68: {  	_ =	swait.ge [sflag:s11], $0x4000  }
0x69: {  	[sflag:s11] =	ssyncset.done $0x0  }
0x6a: {  	s31 =	simm.s32 $0x14080;
	[sflag:s11] =	ssyncadd.s32 $0xFFFFC000  }
0x6b: {  	[tilespmem:s16], [sflag:$0x2] =	stream.indirect.gather [hbm4b:s4+s13], $0x80, s31, s13, $0xb8;
	[tilespmem:$0x1F000] =	vst v63  }
0x6c: {  	_ =	swait.ge [sflag:s17], $0x4000  }
0x6d: {  	[sflag:s17] =	ssyncset.done $0x0  }
0x6e: {  	s25 =	rddreg [dreg:$0xc];
	[sflag:s17] =	ssyncadd.s32 $0xFFFFC000  }
0x6f: {  	[spmem:s1] =	stream.indirect.scatter.add.f32 [tilespmem:s14], [sflag:$0x3], $0x80, s25, s13, $0xb8;
	[tilespmem:$0x1F000] =	vst v63  }
0x70: {  	_ =	swait.ge [sflag:s11], $0x4000  }
0x71: {  	[sflag:s11] =	ssyncset.done $0x0  }
0x72: {  	s26 =	simm.s32 $0x14100;
	[sflag:s11] =	ssyncadd.s32 $0xFFFFC000  }
0x73: {  	[tilespmem:s14], [sflag:$0x1] =	stream.indirect.gather [hbm4b:s4+s13], $0x80, s26, s13, $0xb8;
	[tilespmem:$0x1F000] =	vst v63  }
0x74: {  	_ =	swait.ge [sflag:s18], $0x4000  }
0x75: {  	[sflag:s18] =	ssyncset.done $0x0  }
0x76: {  	s28 =	rddreg [dreg:$0xd];
	[sflag:s18] =	ssyncadd.s32 $0xFFFFC000  }
0x77: {  	[spmem:s1] =	stream.indirect.scatter.add.f32 [tilespmem:s16], [sflag:$0x3], $0x80, s28, s13, $0xb8;
	[tilespmem:$0x1F000] =	vst v63  }
0x78: {  	_ =	swait.ge [sflag:s11], $0x4000  }
0x79: {  	[sflag:s11] =	ssyncset.done $0x0  }
0x7a: {  	s29 =	simm.s32 $0x14180;
	[sflag:s11] =	ssyncadd.s32 $0xFFFFC000  }
0x7b: {  	[tilespmem:s16], [sflag:$0x2] =	stream.indirect.gather [hbm4b:s4+s13], $0x80, s29, s13, $0xb8;
	[tilespmem:$0x1F000] =	vst v63  }
0x7c: {  	_ =	swait.ge [sflag:s17], $0x4000  }
0x7d: {  	[sflag:s17] =	ssyncset.done $0x0  }
0x7e: {  	s30 =	rddreg [dreg:$0xe];
	[sflag:s17] =	ssyncadd.s32 $0xFFFFC000  }
0x7f: {  	[spmem:s1] =	stream.indirect.scatter.add.f32 [tilespmem:s14], [sflag:$0x3], $0x80, s30, s13, $0xb8;
	[tilespmem:$0x1F000] =	vst v63  }
0x80: {  	_ =	swait.ge [sflag:s11], $0x4000  }
0x81: {  	[sflag:s11] =	ssyncset.done $0x0  }
0x82: {  	s31 =	simm.s32 $0x14200;
	[sflag:s11] =	ssyncadd.s32 $0xFFFFC000  }
0x83: {  	[tilespmem:s14], [sflag:$0x1] =	stream.indirect.gather [hbm4b:s4+s13], $0x80, s31, s13, $0xb8;
	[tilespmem:$0x1F000] =	vst v63  }
0x84: {  	_ =	swait.ge [sflag:s18], $0x4000  }
0x85: {  	[sflag:s18] =	ssyncset.done $0x0  }
0x86: {  	s25 =	rddreg [dreg:$0xf];
	[sflag:s18] =	ssyncadd.s32 $0xFFFFC000  }
0x87: {  	[spmem:s1] =	stream.indirect.scatter.add.f32 [tilespmem:s16], [sflag:$0x3], $0x80, s25, s13, $0xb8;
	[tilespmem:$0x1F000] =	vst v63  }
0x88: {  	_ =	swait.ge [sflag:s11], $0x4000  }
0x89: {  	[sflag:s11] =	ssyncset.done $0x0  }
0x8a: {  	s26 =	simm.s32 $0x14280;
	[sflag:s11] =	ssyncadd.s32 $0xFFFFC000  }
0x8b: {  	[tilespmem:s16], [sflag:$0x2] =	stream.indirect.gather [hbm4b:s4+s13], $0x80, s26, s13, $0xb8;
	[tilespmem:$0x1F000] =	vst v63  }
0x8c: {  	_ =	swait.ge [sflag:s17], $0x4000  }
0x8d: {  	[sflag:s17] =	ssyncset.done $0x0  }
0x8e: {  	s28 =	rddreg [dreg:$0x10];
	[sflag:s17] =	ssyncadd.s32 $0xFFFFC000  }
0x8f: {  	[spmem:s1] =	stream.indirect.scatter.add.f32 [tilespmem:s14], [sflag:$0x3], $0x80, s28, s13, $0xb8;
	[tilespmem:$0x1F000] =	vst v63  }
0x90: {  	_ =	swait.ge [sflag:s11], $0x4000  }
0x91: {  	[sflag:s11] =	ssyncset.done $0x0  }
0x92: {  	s29 =	simm.s32 $0x14300;
	[sflag:s11] =	ssyncadd.s32 $0xFFFFC000  }
0x93: {  	[tilespmem:s14], [sflag:$0x1] =	stream.indirect.gather [hbm4b:s4+s13], $0x80, s29, s13, $0xb8;
	[tilespmem:$0x1F000] =	vst v63  }
0x94: {  	_ =	swait.ge [sflag:s18], $0x4000  }
0x95: {  	[sflag:s18] =	ssyncset.done $0x0  }
0x96: {  	[sflag:s18] =	ssyncadd.s32 $0xFFFFC000  }
0x97: {  	[spmem:s1] =	stream.indirect.scatter.add.f32 [tilespmem:s16], [sflag:$0x3], $0x80, s19, s13, $0xb8;
	[tilespmem:$0x1F000] =	vst v63  }
0x98: {  	_ =	swait.ge [sflag:s11], $0x4000  }
0x99: {  	[sflag:s11] =	ssyncset.done $0x0  }
0x9a: {  	s30 =	simm.s32 $0x14380;
	[sflag:s11] =	ssyncadd.s32 $0xFFFFC000  }
0x9b: {  	[tilespmem:s16], [sflag:$0x2] =	stream.indirect.gather [hbm4b:s4+s13], $0x80, s30, s13, $0xb8;
	[tilespmem:$0x1F000] =	vst v63  }
0x9c: {  	_ =	swait.ge [sflag:s17], $0x4000  }
0x9d: {  	[sflag:s17] =	ssyncset.done $0x0  }
0x9e: {  	[sflag:s17] =	ssyncadd.s32 $0xFFFFC000  }
0x9f: {  	[spmem:s1] =	stream.indirect.scatter.add.f32 [tilespmem:s14], [sflag:$0x3], $0x80, s20, s13, $0xb8;
	[tilespmem:$0x1F000] =	vst v63  }
0xa0: {  	_ =	swait.ge [sflag:s11], $0x4000  }
0xa1: {  	[sflag:s11] =	ssyncset.done $0x0  }
0xa2: {  	s31 =	simm.s32 $0x14400;
	[sflag:s11] =	ssyncadd.s32 $0xFFFFC000  }
0xa3: {  	[tilespmem:s14], [sflag:$0x1] =	stream.indirect.gather [hbm4b:s4+s13], $0x80, s31, s13, $0xb8;
	[tilespmem:$0x1F000] =	vst v63  }
0xa4: {  	_ =	swait.ge [sflag:s18], $0x4000  }
0xa5: {  	[sflag:s18] =	ssyncset.done $0x0  }
0xa6: {  	[sflag:s18] =	ssyncadd.s32 $0xFFFFC000  }
0xa7: {  	[spmem:s1] =	stream.indirect.scatter.add.f32 [tilespmem:s16], [sflag:$0x3], $0x80, s21, s13, $0xb8;
	[tilespmem:$0x1F000] =	vst v63  }
0xa8: {  	_ =	swait.ge [sflag:s11], $0x4000  }
0xa9: {  	s24 =	simm.s32 $0x2000;
	s25 =	smov.u32 s6;
	[sflag:s11] =	ssyncset.done $0x0  }
.LBB2_2:
0xaa: {  	[sflag:s11] =	ssyncadd.s32 $0xFFFFC000;
	s25 =	sadd.s32 $0x100, s25  }
0xab: {  	[tilespmem:s15], [sflag:$0x3] =	stream.linear.gather [hbm4b:s25+s2], $0x800, $0x38;
	[tilespmem:$0x1F000] =	vst v63  }
0xac: {  	s26 =	smov.u32 s24;
	_ =	swait.ge [sflag:s11], $0x800  }
0xad: {  	s26 =	sshra.s32 s26, $0x2;
	[sflag:s11] =	ssyncset.done $0x0  }
0xae: {  	s28 =	sadd.s32 $0x13C80, s26;
	[sflag:s11] =	ssyncadd.s32 $0xFFFFF800  }
0xaf: {  	[tilespmem:s16], [sflag:$0x2] =	stream.indirect.gather [hbm4b:s4+s13], $0x80, s28, s13, $0xb8;
	[tilespmem:$0x1F000] =	vst v63  }
0xb0: {  	_ =	swait.ge [sflag:s17], $0x4000  }
0xb1: {  	[sflag:s17] =	ssyncset.done $0x0  }
0xb2: {  	[sflag:s17] =	ssyncadd.s32 $0xFFFFC000  }
0xb3: {  	[spmem:s1] =	stream.indirect.scatter.add.f32 [tilespmem:s14], [sflag:$0x3], $0x80, s15, s13, $0xb8;
	[tilespmem:$0x1F000] =	vst v63  }
0xb4: {  	_ =	swait.ge [sflag:s11], $0x4000  }
0xb5: {  	[sflag:s11] =	ssyncset.done $0x0  }
0xb6: {  	s30 =	sadd.s32 $0x13D00, s26;
	[sflag:s11] =	ssyncadd.s32 $0xFFFFC000  }
0xb7: {  	[tilespmem:s14], [sflag:$0x1] =	stream.indirect.gather [hbm4b:s4+s13], $0x80, s30, s13, $0xb8;
	[tilespmem:$0x1F000] =	vst v63  }
0xb8: {  	_ =	swait.ge [sflag:s18], $0x4000  }
0xb9: {  	[sflag:s18] =	ssyncset.done $0x0  }
0xba: {  	s31 =	rddreg [dreg:$0x5];
	[sflag:s18] =	ssyncadd.s32 $0xFFFFC000  }
0xbb: {  	[spmem:s1] =	stream.indirect.scatter.add.f32 [tilespmem:s16], [sflag:$0x3], $0x80, s31, s13, $0xb8;
	[tilespmem:$0x1F000] =	vst v63  }
0xbc: {  	_ =	swait.ge [sflag:s11], $0x4000  }
0xbd: {  	[sflag:s11] =	ssyncset.done $0x0  }
0xbe: {  	s29 =	sadd.s32 $0x13D80, s26;
	[sflag:s11] =	ssyncadd.s32 $0xFFFFC000  }
0xbf: {  	[tilespmem:s16], [sflag:$0x2] =	stream.indirect.gather [hbm4b:s4+s13], $0x80, s29, s13, $0xb8;
	[tilespmem:$0x1F000] =	vst v63  }
0xc0: {  	_ =	swait.ge [sflag:s17], $0x4000  }
0xc1: {  	[sflag:s17] =	ssyncset.done $0x0  }
0xc2: {  	s30 =	rddreg [dreg:$0x6];
	[sflag:s17] =	ssyncadd.s32 $0xFFFFC000  }
0xc3: {  	[spmem:s1] =	stream.indirect.scatter.add.f32 [tilespmem:s14], [sflag:$0x3], $0x80, s30, s13, $0xb8;
	[tilespmem:$0x1F000] =	vst v63  }
0xc4: {  	_ =	swait.ge [sflag:s11], $0x4000  }
0xc5: {  	[sflag:s11] =	ssyncset.done $0x0  }
0xc6: {  	s31 =	sadd.s32 $0x13E00, s26;
	[sflag:s11] =	ssyncadd.s32 $0xFFFFC000  }
0xc7: {  	[tilespmem:s14], [sflag:$0x1] =	stream.indirect.gather [hbm4b:s4+s13], $0x80, s31, s13, $0xb8;
	[tilespmem:$0x1F000] =	vst v63  }
0xc8: {  	_ =	swait.ge [sflag:s18], $0x4000  }
0xc9: {  	[sflag:s18] =	ssyncset.done $0x0  }
0xca: {  	s29 =	rddreg [dreg:$0x7];
	[sflag:s18] =	ssyncadd.s32 $0xFFFFC000  }
0xcb: {  	[spmem:s1] =	stream.indirect.scatter.add.f32 [tilespmem:s16], [sflag:$0x3], $0x80, s29, s13, $0xb8;
	[tilespmem:$0x1F000] =	vst v63  }
0xcc: {  	_ =	swait.ge [sflag:s11], $0x4000  }
0xcd: {  	[sflag:s11] =	ssyncset.done $0x0  }
0xce: {  	s30 =	sadd.s32 $0x13E80, s26;
	[sflag:s11] =	ssyncadd.s32 $0xFFFFC000  }
0xcf: {  	[tilespmem:s16], [sflag:$0x2] =	stream.indirect.gather [hbm4b:s4+s13], $0x80, s30, s13, $0xb8;
	[tilespmem:$0x1F000] =	vst v63  }
0xd0: {  	_ =	swait.ge [sflag:s17], $0x4000  }
0xd1: {  	[sflag:s17] =	ssyncset.done $0x0  }
0xd2: {  	s31 =	rddreg [dreg:$0x8];
	[sflag:s17] =	ssyncadd.s32 $0xFFFFC000  }
0xd3: {  	[spmem:s1] =	stream.indirect.scatter.add.f32 [tilespmem:s14], [sflag:$0x3], $0x80, s31, s13, $0xb8;
	[tilespmem:$0x1F000] =	vst v63  }
0xd4: {  	_ =	swait.ge [sflag:s11], $0x4000  }
0xd5: {  	[sflag:s11] =	ssyncset.done $0x0  }
0xd6: {  	s29 =	sadd.s32 $0x13F00, s26;
	[sflag:s11] =	ssyncadd.s32 $0xFFFFC000  }
0xd7: {  	[tilespmem:s14], [sflag:$0x1] =	stream.indirect.gather [hbm4b:s4+s13], $0x80, s29, s13, $0xb8;
	[tilespmem:$0x1F000] =	vst v63  }
0xd8: {  	_ =	swait.ge [sflag:s18], $0x4000  }
0xd9: {  	[sflag:s18] =	ssyncset.done $0x0  }
0xda: {  	s30 =	rddreg [dreg:$0x9];
	[sflag:s18] =	ssyncadd.s32 $0xFFFFC000  }
0xdb: {  	[spmem:s1] =	stream.indirect.scatter.add.f32 [tilespmem:s16], [sflag:$0x3], $0x80, s30, s13, $0xb8;
	[tilespmem:$0x1F000] =	vst v63  }
0xdc: {  	_ =	swait.ge [sflag:s11], $0x4000  }
0xdd: {  	[sflag:s11] =	ssyncset.done $0x0  }
0xde: {  	s31 =	sadd.s32 $0x13F80, s26;
	[sflag:s11] =	ssyncadd.s32 $0xFFFFC000  }
0xdf: {  	[tilespmem:s16], [sflag:$0x2] =	stream.indirect.gather [hbm4b:s4+s13], $0x80, s31, s13, $0xb8;
	[tilespmem:$0x1F000] =	vst v63  }
0xe0: {  	_ =	swait.ge [sflag:s17], $0x4000  }
0xe1: {  	[sflag:s17] =	ssyncset.done $0x0  }
0xe2: {  	s29 =	rddreg [dreg:$0xa];
	[sflag:s17] =	ssyncadd.s32 $0xFFFFC000  }
0xe3: {  	[spmem:s1] =	stream.indirect.scatter.add.f32 [tilespmem:s14], [sflag:$0x3], $0x80, s29, s13, $0xb8;
	[tilespmem:$0x1F000] =	vst v63  }
0xe4: {  	_ =	swait.ge [sflag:s11], $0x4000  }
0xe5: {  	[sflag:s11] =	ssyncset.done $0x0  }
0xe6: {  	s30 =	sadd.s32 $0x14000, s26;
	[sflag:s11] =	ssyncadd.s32 $0xFFFFC000  }
0xe7: {  	[tilespmem:s14], [sflag:$0x1] =	stream.indirect.gather [hbm4b:s4+s13], $0x80, s30, s13, $0xb8;
	[tilespmem:$0x1F000] =	vst v63  }
0xe8: {  	_ =	swait.ge [sflag:s18], $0x4000  }
0xe9: {  	[sflag:s18] =	ssyncset.done $0x0  }
0xea: {  	s31 =	rddreg [dreg:$0xb];
	[sflag:s18] =	ssyncadd.s32 $0xFFFFC000  }
0xeb: {  	[spmem:s1] =	stream.indirect.scatter.add.f32 [tilespmem:s16], [sflag:$0x3], $0x80, s31, s13, $0xb8;
	[tilespmem:$0x1F000] =	vst v63  }
0xec: {  	_ =	swait.ge [sflag:s11], $0x4000  }
0xed: {  	[sflag:s11] =	ssyncset.done $0x0  }
0xee: {  	s29 =	sadd.s32 $0x14080, s26;
	[sflag:s11] =	ssyncadd.s32 $0xFFFFC000  }
0xef: {  	[tilespmem:s16], [sflag:$0x2] =	stream.indirect.gather [hbm4b:s4+s13], $0x80, s29, s13, $0xb8;
	[tilespmem:$0x1F000] =	vst v63  }
0xf0: {  	_ =	swait.ge [sflag:s17], $0x4000  }
0xf1: {  	[sflag:s17] =	ssyncset.done $0x0  }
0xf2: {  	s30 =	rddreg [dreg:$0xc];
	[sflag:s17] =	ssyncadd.s32 $0xFFFFC000  }
0xf3: {  	[spmem:s1] =	stream.indirect.scatter.add.f32 [tilespmem:s14], [sflag:$0x3], $0x80, s30, s13, $0xb8;
	[tilespmem:$0x1F000] =	vst v63  }
0xf4: {  	_ =	swait.ge [sflag:s11], $0x4000  }
0xf5: {  	[sflag:s11] =	ssyncset.done $0x0  }
0xf6: {  	s31 =	sadd.s32 $0x14100, s26;
	[sflag:s11] =	ssyncadd.s32 $0xFFFFC000  }
0xf7: {  	[tilespmem:s14], [sflag:$0x1] =	stream.indirect.gather [hbm4b:s4+s13], $0x80, s31, s13, $0xb8;
	[tilespmem:$0x1F000] =	vst v63  }
0xf8: {  	_ =	swait.ge [sflag:s18], $0x4000  }
0xf9: {  	[sflag:s18] =	ssyncset.done $0x0  }
0xfa: {  	s29 =	rddreg [dreg:$0xd];
	[sflag:s18] =	ssyncadd.s32 $0xFFFFC000  }
0xfb: {  	[spmem:s1] =	stream.indirect.scatter.add.f32 [tilespmem:s16], [sflag:$0x3], $0x80, s29, s13, $0xb8;
	[tilespmem:$0x1F000] =	vst v63  }
0xfc: {  	_ =	swait.ge [sflag:s11], $0x4000  }
0xfd: {  	[sflag:s11] =	ssyncset.done $0x0  }
0xfe: {  	s30 =	sadd.s32 $0x14180, s26;
	[sflag:s11] =	ssyncadd.s32 $0xFFFFC000  }
0xff: {  	[tilespmem:s16], [sflag:$0x2] =	stream.indirect.gather [hbm4b:s4+s13], $0x80, s30, s13, $0xb8;
	[tilespmem:$0x1F000] =	vst v63  }
0x100: {  	_ =	swait.ge [sflag:s17], $0x4000  }
0x101: {  	[sflag:s17] =	ssyncset.done $0x0  }
0x102: {  	s31 =	rddreg [dreg:$0xe];
	[sflag:s17] =	ssyncadd.s32 $0xFFFFC000  }
0x103: {  	[spmem:s1] =	stream.indirect.scatter.add.f32 [tilespmem:s14], [sflag:$0x3], $0x80, s31, s13, $0xb8;
	[tilespmem:$0x1F000] =	vst v63  }
0x104: {  	_ =	swait.ge [sflag:s11], $0x4000  }
0x105: {  	[sflag:s11] =	ssyncset.done $0x0  }
0x106: {  	s29 =	sadd.s32 $0x14200, s26;
	[sflag:s11] =	ssyncadd.s32 $0xFFFFC000  }
0x107: {  	[tilespmem:s14], [sflag:$0x1] =	stream.indirect.gather [hbm4b:s4+s13], $0x80, s29, s13, $0xb8;
	[tilespmem:$0x1F000] =	vst v63  }
0x108: {  	_ =	swait.ge [sflag:s18], $0x4000  }
0x109: {  	[sflag:s18] =	ssyncset.done $0x0  }
0x10a: {  	s30 =	rddreg [dreg:$0xf];
	[sflag:s18] =	ssyncadd.s32 $0xFFFFC000  }
0x10b: {  	[spmem:s1] =	stream.indirect.scatter.add.f32 [tilespmem:s16], [sflag:$0x3], $0x80, s30, s13, $0xb8;
	[tilespmem:$0x1F000] =	vst v63  }
0x10c: {  	_ =	swait.ge [sflag:s11], $0x4000  }
0x10d: {  	[sflag:s11] =	ssyncset.done $0x0  }
0x10e: {  	s31 =	sadd.s32 $0x14280, s26;
	[sflag:s11] =	ssyncadd.s32 $0xFFFFC000  }
0x10f: {  	[tilespmem:s16], [sflag:$0x2] =	stream.indirect.gather [hbm4b:s4+s13], $0x80, s31, s13, $0xb8;
	[tilespmem:$0x1F000] =	vst v63  }
0x110: {  	_ =	swait.ge [sflag:s17], $0x4000  }
0x111: {  	[sflag:s17] =	ssyncset.done $0x0  }
0x112: {  	s29 =	rddreg [dreg:$0x10];
	[sflag:s17] =	ssyncadd.s32 $0xFFFFC000  }
0x113: {  	[spmem:s1] =	stream.indirect.scatter.add.f32 [tilespmem:s14], [sflag:$0x3], $0x80, s29, s13, $0xb8;
	[tilespmem:$0x1F000] =	vst v63  }
0x114: {  	_ =	swait.ge [sflag:s11], $0x4000  }
0x115: {  	[sflag:s11] =	ssyncset.done $0x0  }
0x116: {  	s30 =	sadd.s32 $0x14300, s26;
	[sflag:s11] =	ssyncadd.s32 $0xFFFFC000  }
0x117: {  	[tilespmem:s14], [sflag:$0x1] =	stream.indirect.gather [hbm4b:s4+s13], $0x80, s30, s13, $0xb8;
	[tilespmem:$0x1F000] =	vst v63  }
0x118: {  	_ =	swait.ge [sflag:s18], $0x4000  }
0x119: {  	[sflag:s18] =	ssyncset.done $0x0  }
0x11a: {  	[sflag:s18] =	ssyncadd.s32 $0xFFFFC000  }
0x11b: {  	[spmem:s1] =	stream.indirect.scatter.add.f32 [tilespmem:s16], [sflag:$0x3], $0x80, s19, s13, $0xb8;
	[tilespmem:$0x1F000] =	vst v63  }
0x11c: {  	_ =	swait.ge [sflag:s11], $0x4000  }
0x11d: {  	[sflag:s11] =	ssyncset.done $0x0  }
0x11e: {  	s31 =	sadd.s32 $0x14380, s26;
	[sflag:s11] =	ssyncadd.s32 $0xFFFFC000  }
0x11f: {  	[tilespmem:s16], [sflag:$0x2] =	stream.indirect.gather [hbm4b:s4+s13], $0x80, s31, s13, $0xb8;
	[tilespmem:$0x1F000] =	vst v63  }
0x120: {  	_ =	swait.ge [sflag:s17], $0x4000  }
0x121: {  	[sflag:s17] =	ssyncset.done $0x0  }
0x122: {  	[sflag:s17] =	ssyncadd.s32 $0xFFFFC000  }
0x123: {  	[spmem:s1] =	stream.indirect.scatter.add.f32 [tilespmem:s14], [sflag:$0x3], $0x80, s20, s13, $0xb8;
	[tilespmem:$0x1F000] =	vst v63  }
0x124: {  	_ =	swait.ge [sflag:s11], $0x4000  }
0x125: {  	[sflag:s11] =	ssyncset.done $0x0  }
0x126: {  	s26 =	sadd.s32 $0x14400, s26;
	[sflag:s11] =	ssyncadd.s32 $0xFFFFC000  }
0x127: {  	[tilespmem:s14], [sflag:$0x1] =	stream.indirect.gather [hbm4b:s4+s13], $0x80, s26, s13, $0xb8;
	[tilespmem:$0x1F000] =	vst v63  }
0x128: {  	p0 =	sne.s32 s24, $0x8000;
	_ =	swait.ge [sflag:s18], $0x4000  }
.Ltmp0:
0x129: {  	[sflag:s18] =	ssyncset.done $0x0;
	(pc) =	sbr.rel @p0 .LBB2_2-.Ltmp0, $4  }
0x12a: {  	[sflag:s18] =	ssyncadd.s32 $0xFFFFC000  }
0x12b: {  	[spmem:s1] =	stream.indirect.scatter.add.f32 [tilespmem:s16], [sflag:$0x3], $0x80, s21, s13, $0xb8;
	[tilespmem:$0x1F000] =	vst v63  }
0x12c: {  	_ =	swait.ge [sflag:s11], $0x4000  }
0x12d: {  	s24 =	sadd.s32 $0x2000, s24;
	[sflag:s11] =	ssyncset.done $0x0  }
0x12e: {  	[sflag:s11] =	ssyncadd.s32 $0xFFFFC000  }
0x12f: {  	_ =	swait.ge [sflag:s17], $0x4000  }
0x130: {  	s23 =	sadd.s32 $0x1, s23;
	[sflag:s17] =	ssyncset.done $0x0  }
0x131: {  	p0 =	sne.s32 s23, s7;
	[sflag:s17] =	ssyncadd.s32 $0xFFFFC000  }
.Ltmp1:
0x132: {  	[bflag:$0x0] =	sbarrier.arrive $0xFFFF;
	(pc) =	sbr.rel @p0 .LBB2_1-.Ltmp1, $4  }
0x133: {  	[hbm:s22], [sflag:s9] =	dma.local [spmem:s10], $0x2780  }
0x134: {  	_ =	swait.ge [sflag:s11], $0x2780  }
0x135: {  	[sflag:s11] =	ssyncset.done $0x0  }
0x136: {  	[sflag:s11] =	ssyncadd.s32 $0xFFFFD880  }
0x137: {  	_ =	sfence.sel $0x180000  }
0x138: {  	[bflag:$0x0] =	sbarrier.arrive $0xFFFF  }
0x139: {  	p0 =	sne.s32 s3, $0x0;
	_ =	strace $0x9000004A  }
0x13a: {  	s0 =	sadd.s32 @!p0 $0x100000, s0;
	[bflag:$0x2] =	sbarrier.arrive $0xFFFF  }
0x13b: {  	[sflag:s0] =	ssyncadd.tile.s32 @!p0 $0x1;
	_ =	shalt  }
.Lfunc_end2:
_tile_overlayer_lowered:
.L_overlay_start_2:
0x13c: {  	(tag) =	ssettag $0x2  }
0x13d: {  	s0 =	rddreg [dreg:$0x0];
	s2 =	stileid.u32  }
0x13e: {  	s1 =	rddreg [dreg:$0x1];
	p0 =	sne.s32 s2, $0x0  }
0x13f: {  	s3 =	rddreg [dreg:$0x2];
	[bflag:$0x3] =	sbarrier.arrive $0xFFFF;
	s2 =	simm.s32 @!p0 $0x1C03  }
0x140: {  	[timem:s3], [sflag:s2] =	dma.local @!p0 [hbm:s0], s1  }
0x141: {  	s0 =	simm.s32 @!p0 $0x3  }
0x142: {  	_ =	swait.ge @!p0 [sflag:s0], s1  }
0x143: {  	s1 =	ssub.s32 @!p0 $0x0, s1;
	[sflag:s0] =	ssyncset.done @!p0 $0x0  }
0x144: {  	[sflag:s0] =	ssyncadd.s32 @!p0 s1  }
0x145: {  	[bflag:$0x3] =	sbarrier.arrive $0xFFFF  }
0x146: {  	_ =	shalt  }

// kernel: kernel.14.cloned.1.call-start
scs
__scs_entry_jumppad:
0x0: {  	(pc) =	sbr.rel $0x88, $3  }
0x1: {  	(tag) =	ssettag $0x0;
	lr =	simm.s32 $0x1  }
0x2: {  	[smem:$0x3F9E] =	sst lr;
	_ =	strace $0xD0000000  }
0x3: {  	_ = 	snop  }
0x4: {  	_ = 	snop  }
0x5: {  	_ = 	snop  }
0x6: {  	_ = 	snop  }
0x7: {  	_ = 	snop  }
__scs_overlays_trampoline_lowered:
0x8: {  	[smem:$0x3FAD] =	sst s0  }
0x9: {  	[smem:$0x3FAE] =	sst s1  }
0xa: {  	[smem:$0x3FAF] =	sst s2  }
0xb: {  	[smem:$0x3FB0] =	sst s3  }
0xc: {  	[smem:$0x3FB1] =	sst s4  }
0xd: {  	[smem:$0x3FB2] =	sst s5  }
0xe: {  	[smem:$0x3FB3] =	sst s6  }
0xf: {  	[smem:$0x3FB4] =	sst s7  }
0x10: {  	[smem:$0x3FB5] =	sst s8  }
0x11: {  	[smem:$0x3FB6] =	sst s9;
	s0 =	simm.s32 @!p0 $0x0  }
0x12: {  	s1 =	sld [smem:$0x3F9C];
	s0 =	simm.s32 @p0 $0x1  }
0x13: {  	[smem:$0x3FB7] =	sst s0;
	s0 =	simm.s32 @!p1 $0x0  }
0x14: {  	s2 =	sld [smem:$0x3F9B];
	s0 =	simm.s32 @p1 $0x1  }
0x15: {  	[smem:$0x3FB8] =	sst s0;
	s0 =	simm.s32 @!p2 $0x0  }
0x16: {  	s3 =	sld [smem:$0x3FDB];
	s0 =	simm.s32 @p2 $0x1  }
0x17: {  	s4 =	simm.s32 $0x1BF5;
	[smem:$0x3FBA] =	sst s0  }
0x18: {  	s0 =	sld [smem:$0x3F9D];
	_ =	swait.ge [sflag:s4], $0x0  }
0x19: {  	s7 =	sld [smem:$0x3F9E]  }
0x1a: {  	s8 =	sadd.s32 $0xFFFFE003, lr  }
0x1b: {  	s9 =	sadd.s32 $0xFFFFFEF7, lr;
	s5 =	simm.s32 $0xFFFFFFFF;
	p2 =	slt.u32 s8, $0xFFFFF086  }
0x1c: {  	p1 =	slt.u32 s9, $0xF7A;
	s5 =	simm.s32 @!p2 $0x0  }
0x1d: {  	s5 =	simm.s32 @p1 $0x1;
	p0 =	seq.s32 s7, s2  }
0x1e: {  	s7 =	smul.u32 @!p0 $0xF7A, s2;
	p2 =	seq.s32 @!p0 s5, $0x0  }
0x1f: {  	s9 =	smul.u32 $0xF7A, s1;
	s8 =	simm.s32 @!p0 $0x1BF5;
	p2 =	por !p2, p0  }
0x20: {  	[sflag:s8] =	ssyncset.s32 @!p0 $0xFFFFF086;
	s6 =	sadd.s32 @!p0 s3, s7;
	s7 =	simm.s32 @!p0 $0x108  }
0x21: {  	s3 =	sadd.s32 s3, s9;
	s6 =	sadd.s32 @!p0 $0x88, s6;
	s7 =	simm.s32 @p2 $0x1082  }
0x22: {  	[simem:s7], [sflag:s8] =	dma.local @!p0 [hbm:s6], $0xF7A  }
0x23: {  	s9 =	sor.u32 $0xD0000000, s2;
	s6 =	simm.s32 $0x108;
	_ =	swait.ge @!p0 [sflag:s8], $0x0  }
0x24: {  	s3 =	sadd.s32 $0x88, s3;
	s6 =	simm.s32 @!p1 $0x1082;
	[sflag:s4] =	ssyncset.s32 $0xFFFFF086  }
0x25: {  	[simem:s6], [sflag:s4] =	dma.local [hbm:s3], $0xF7A  }
0x26: {  	[smem:$0x3F9E] =	sst s1;
	(tag) =	ssettag s2;
	_ =	strace s9  }
0x27: {  	s1 =	sld [smem:$0x3FAE]  }
0x28: {  	s2 =	sld [smem:$0x3FAF]  }
0x29: {  	s4 =	sld [smem:$0x3FB1]  }
0x2a: {  	p0 =	seq.s32 s5, $0x0;
	s5 =	sld [smem:$0x3FB2]  }
0x2b: {  	s6 =	sld [smem:$0x3FB3]  }
0x2c: {  	s7 =	sld [smem:$0x3FB4]  }
0x2d: {  	s3 =	simm.s32 $0x108;
	s8 =	sld [smem:$0x3FB5]  }
0x2e: {  	s3 =	simm.s32 @!p0 $0x1082;
	s9 =	sld [smem:$0x3FB6]  }
0x2f: {  	lr =	sadd.s32 s0, s3;
	s0 =	sld [smem:$0x3FAD]  }
0x30: {  	s3 =	sld [smem:$0x3FB0]  }
0x31: {  	[smem:$0x3FB9] =	sst s10  }
0x32: {  	s10 =	sld [smem:$0x3FB7];
	_ =	sdelay $0x3  }
0x33: {  	p0 =	seq.s32 s10, $0x1;
	s10 =	sld [smem:$0x3FB9];
	_ =	sdelay $0x3  }
0x34: {  	[smem:$0x3FB9] =	sst s10  }
0x35: {  	s10 =	sld [smem:$0x3FB8];
	_ =	sdelay $0x3  }
0x36: {  	p1 =	seq.s32 s10, $0x1;
	s10 =	sld [smem:$0x3FB9];
	_ =	sdelay $0x3  }
0x37: {  	[smem:$0x3FB9] =	sst s10  }
0x38: {  	s10 =	sld [smem:$0x3FBA]  }
0x39: {  	_ = 	snop;
	(pc) =	sbr.ind lr, $3  }
0x3a: {  	_ = 	snop  }
0x3b: {  	_ = 	snop  }
0x3c: {  	p2 =	seq.s32 s10, $0x1;
	s10 =	sld [smem:$0x3FB9]  }
0x3d: {  	_ =	shalt  }
0x3e: {  	_ =	shalt  }
0x3f: {  	_ =	shalt  }
0x40: {  	_ =	shalt  }
0x41: {  	_ =	shalt  }
0x42: {  	_ =	shalt  }
0x43: {  	_ =	shalt  }
0x44: {  	_ =	shalt  }
0x45: {  	_ =	shalt  }
0x46: {  	_ =	shalt  }
0x47: {  	_ =	shalt  }
0x48: {  	_ =	shalt  }
0x49: {  	_ =	shalt  }
0x4a: {  	_ =	shalt  }
0x4b: {  	_ =	shalt  }
0x4c: {  	_ =	shalt  }
0x4d: {  	_ =	shalt  }
0x4e: {  	_ =	shalt  }
0x4f: {  	_ =	shalt  }
0x50: {  	_ =	shalt  }
0x51: {  	_ =	shalt  }
0x52: {  	_ =	shalt  }
0x53: {  	_ =	shalt  }
0x54: {  	_ =	shalt  }
0x55: {  	_ =	shalt  }
0x56: {  	_ =	shalt  }
0x57: {  	_ =	shalt  }
0x58: {  	_ =	shalt  }
0x59: {  	_ =	shalt  }
0x5a: {  	_ =	shalt  }
0x5b: {  	_ =	shalt  }
0x5c: {  	_ =	shalt  }
0x5d: {  	_ =	shalt  }
0x5e: {  	_ =	shalt  }
0x5f: {  	_ =	shalt  }
0x60: {  	_ =	shalt  }
0x61: {  	_ =	shalt  }
0x62: {  	_ =	shalt  }
0x63: {  	_ =	shalt  }
0x64: {  	_ =	shalt  }
0x65: {  	_ =	shalt  }
0x66: {  	_ =	shalt  }
0x67: {  	_ =	shalt  }
0x68: {  	_ =	shalt  }
0x69: {  	_ =	shalt  }
0x6a: {  	_ =	shalt  }
0x6b: {  	_ =	shalt  }
0x6c: {  	_ =	shalt  }
0x6d: {  	_ =	shalt  }
0x6e: {  	_ =	shalt  }
0x6f: {  	_ =	shalt  }
0x70: {  	_ =	shalt  }
0x71: {  	_ =	shalt  }
0x72: {  	_ =	shalt  }
0x73: {  	_ =	shalt  }
0x74: {  	_ =	shalt  }
0x75: {  	_ =	shalt  }
0x76: {  	_ =	shalt  }
0x77: {  	_ =	shalt  }
0x78: {  	_ =	shalt  }
0x79: {  	_ =	shalt  }
0x7a: {  	_ =	shalt  }
0x7b: {  	_ =	shalt  }
0x7c: {  	_ =	shalt  }
0x7d: {  	_ =	shalt  }
0x7e: {  	_ =	shalt  }
0x7f: {  	_ =	shalt  }
0x80: {  	_ =	shalt  }
0x81: {  	_ =	shalt  }
0x82: {  	_ =	shalt  }
0x83: {  	_ =	shalt  }
0x84: {  	_ =	shalt  }
0x85: {  	_ =	shalt  }
0x86: {  	_ =	shalt  }
0x87: {  	_ =	shalt  }
.Lfunc_end0:
.L_simem_size_0:
called_computation.2_lowered:
.L_overlay_start_0:
0x88: {  	s2 =	sld [smem:$0x3FD9]  }
0x89: {  	s3 =	sld [smem:$0x3FFE];
	_ =	sdelay $0x1  }
0x8a: {  	s1 =	srdreg.scid  }
0x8b: {  	s0 =	sand.u32 $0x1, s1  }
0x8c: {  	s14 =	sshll.u32 s0, $0xA;
	s2 =	sadd.s32 s3, s2  }
0x8d: {  	s2 =	sadd.s32 s2, s14  }
0x8e: {  	[smem:$0x3FC5] =	sst s2  }
0x8f: {  	_ = 	snop  }
0x90: {  	s2 =	sld [smem:$0x3FD0];
	_ =	sdelay $0x2  }
0x91: {  	s15 =	simm.s32 $0xA;
	s4 =	simm.s32 $0x10  }
0x92: {  	[smem:s4], [sflag:s15] =	dma.local [hbm:s2], $0x1  }
0x93: {  	_ =	swait.eq [sflag:s15], $0x1  }
0x94: {  	[sflag:s15] =	ssyncset.done $0x0  }
0x95: {  	s16 =	sld [smem:$0x10];
	[sflag:s15] =	ssyncadd.s32 $0xFFFFFFFF  }
0x96: {  	s17 =	sld [smem:$0x13];
	(tm) =	ssettm $0x1  }
0x97: {  	s18 =	sld [smem:$0x3FFB];
	_ =	sdelay $0x3  }
0x98: {  	_ =	strace s18  }
0x99: {  	s4 =	sld [smem:$0x3FFC];
	_ =	sdelay $0x3  }
0x9a: {  	_ =	strace s4  }
0x9b: {  	s4 =	sld [smem:$0x3FFD];
	_ =	sdelay $0x3  }
0x9c: {  	_ =	strace s4  }
0x9d: {  	_ =	strace $0x8FFFFFFF  }
0x9e: {  	s19 =	sld [smem:$0x3FDB];
	_ =	sdelay $0x1  }
0x9f: {  	s5 =	simm.s32 $_scs_section_size  }
0xa0: {  	s6 =	simm.s32 $_size__tile_overlayer_lowered;
	s7 =	simm.s32 $_tile_overlayer_lowered  }
0xa1: {  	s22 =	simm.s32 $0x1BFF;
	s21 =	sshll.u32 s7, $0x1;
	s4 =	sadd.s32 s5, s19  }
0xa2: {  	s8 =	simm.s32 $0x0;
	s20 =	sshll.u32 s6, $0x1;
	s6 =	sadd.s32 s21, s4  }
0xa3: {  	[timem:s8], [sflag:s22] =	dma.local [hbm:s6], s20  }
0xa4: {  	_ =	swait.ge [sflag:s22], s20  }
0xa5: {  	s5 =	ssub.s32 $0x0, s20;
	[sflag:s22] =	ssyncset.done $0x0  }
0xa6: {  	[sflag:s22] =	ssyncadd.s32 s5;
	_ =	sdelay $0x1  }
0xa7: {  	s23 =	simm.s32 $0x1B8B  }
0xa8: {  	_ =	swait.ge [sflag:s23], $0x1  }
0xa9: {  	[sflag:s23] =	ssyncset.done $0x0  }
0xaa: {  	s25 =	simm.s32 $0x1B8E;
	s24 =	sld [smem:$0x3FFE];
	[sflag:s23] =	ssyncadd.s32 $0xFFFFFFFF  }
0xab: {  	s26 =	simm.s32 $execute0_lowered;
	[smem:$0x3FD2] =	sst s25  }
0xac: {  	s6 =	sshll.u32 s26, $0x1;
	_ =	strace $0x8000004C;
	[dreg:$0x1] =	wrdreg $0xFFFFFFFF  }
0xad: {  	s28 =	simm.s32 $_size_execute0_lowered;
	s4 =	sadd.s32 s4, s6;
	[dreg:$0x0] =	wrdreg $0x0  }
0xae: {  	s6 =	sshll.u32 s28, $0x1;
	[dreg:$0x2] =	wrdreg s4  }
0xaf: {  	[dreg:$0x3] =	wrdreg s6  }
0xb0: {  	[dreg:$0x4] =	wrdreg $0xC0  }
0xb1: {  	_ =	task [dreg:s8], $0x5FFFF  }
0xb2: {  	[dreg:$0x1] =	wrdreg $0xFFFFFFFF  }
0xb3: {  	[dreg:$0x0] =	wrdreg $0x60  }
0xb4: {  	[dreg:$0x2] =	wrdreg s24  }
0xb5: {  	[dreg:$0x3] =	wrdreg s17  }
0xb6: {  	[dreg:$0x4] =	wrdreg s16  }
0xb7: {  	[dreg:$0x5] =	wrdreg $0x0  }
0xb8: {  	[dreg:$0x6] =	wrdreg $0x9  }
0xb9: {  	_ =	task.clear_ibuf [dreg:s8], $0x7FFFF;
	_ =	strace $0x9000004C  }
0xba: {  	s29 =	simm.s32 $0x9;
	_ =	strace $0x8000004E  }
0xbb: {  	_ =	swait.ge [sflag:s29], $0x1  }
0xbc: {  	[sflag:s29] =	ssyncadd.s32 $0xFFFFFFFF  }
0xbd: {  	_ =	strace $0x9000004E  }
0xbe: {  	_ =	sfence  }
0xbf: {  	s30 =	sld [smem:$0x0];
	_ =	sdelay $0x2  }
0xc0: {  	s31 =	sshll.u32 s1, $0xD;
	s1 =	sshrl.u32 s1, $0x2  }
0xc1: {  	s3 =	sand.u32 $0x4000, s31;
	s1 =	sadd.s32 s1, s30  }
0xc2: {  	s0 =	sor.u32 s3, s0;
	s1 =	sshll.u32 s1, $0x11  }
0xc3: {  	s0 =	sor.u32 s1, s0  }
0xc4: {  	s0 =	sadd.s32 $0x8F2B, s0  }
0xc5: {  	[sflag:s0] =	ssyncadd.remote.s32 $0x1  }
0xc6: {  	_ =	sfence.sel $0xFFFF  }
0xc7: {  	[dreg:$0x0] =	wrdreg $0xFFFFFFFF;
	(pc) =	sbr.abs _section_cstart, $3  }
0xc8: {  	[dreg:$0x1] =	wrdreg $0xFFFFFFFF  }
0xc9: {  	_ =	task.clear_ibuf [dreg:s8], $0x2FFFF;
	_ =	strace $0x9FFFFFFF  }
0xca: {  	(tm) =	ssettm $0x7FFFFFFF  }
0xcb: {  	_ =	shalt  }
tec
execute0_lowered:
.L_overlay_start_1:
0x0: {  	(tag) =	ssettag $0x1  }
0x1: {  	s5 =	rddreg [dreg:$0x0]  }
0x2: {  	s6 =	rddreg [dreg:$0x1]  }
0x3: {  	s7 =	rddreg [dreg:$0x2]  }
0x4: {  	s1 =	rddreg [dreg:$0x3]  }
0x5: {  	s0 =	rddreg [dreg:$0x4];
	s2 =	simm.s32 $0x0;
	s3 =	srdreg.scid  }
0x6: {  	s21 =	simm.s32 $0x16880;
	s25 =	simm.s32 $0x16900;
	s26 =	simm.s32 $0x16980  }
0x7: {  	s28 =	simm.s32 $0x16A00;
	s29 =	simm.s32 $0x16A80;
	[smem:$0x7FF] =	sst s2  }
0x8: {  	s30 =	simm.s32 $0x16B00;
	_ =	strace $0x8000004D;
	[dreg:$0x5] =	wrdreg s21  }
0x9: {  	s15 =	simm.s32 $0x16B80;
	s16 =	simm.s32 $0x16C00;
	[dreg:$0x6] =	wrdreg s25  }
0xa: {  	s17 =	simm.s32 $0x16C80;
	s31 =	simm.s32 $0x16E00;
	[dreg:$0x7] =	wrdreg s26  }
0xb: {  	s8 =	sand.u32 $0x1, s3;
	s4 =	sadd.s32 $0x2200, s5;
	[dreg:$0x8] =	wrdreg s28  }
0xc: {  	s9 =	sadd.s32 $0x29A00, s5;
	s3 =	stileid.u32;
	[dreg:$0x9] =	wrdreg s29  }
0xd: {  	s10 =	smul.u32 $0x27800, s8;
	s11 =	ssub.s32 $0x2, s8;
	[dreg:$0xa] =	wrdreg s30  }
0xe: {  	s12 =	sshll.u32 s8, $0x4;
	s14 =	smul.u32 $0x4F000, s3;
	[dreg:$0xb] =	wrdreg s15  }
0xf: {  	p0 =	seq.s32 s8, $0x0;
	s22 =	smul.u32 $0x2780, s3;
	[dreg:$0xc] =	wrdreg s16  }
0x10: {  	s24 =	sshll.u32 s3, $0x6;
	s15 =	simm.s32 $0x16800;
	[dreg:$0xd] =	wrdreg s17  }
0x11: {  	s16 =	simm.s32 $0x1B000;
	s17 =	simm.s32 $0x1;
	[dreg:$0x10] =	wrdreg s31  }
0x12: {  	s21 =	simm.s32 $0x16F80;
	s13 =	sshrl.u32 s11, $0x1;
	s12 =	sor.u32 s3, s12  }
0x13: {  	s9 =	smov.u32 @p0 s4;
	s10 =	sadd.s32 s10, s5;
	s18 =	smul.u32 $0x580, s12  }
0x14: {  	s11 =	ssub.s32 s11, s13;
	s19 =	sshrl.u32 s14, $0x2;
	s12 =	smul.u32 $0x500, s12  }
0x15: {  	s8 =	sadd.s32 s9, s22;
	s9 =	sor.u32 $0x1C03, s24;
	s13 =	simm.s32 $0x80  }
0x16: {  	s14 =	simm.s32 $0x17000;
	s20 =	sadd.s32 s19, s1;
	s23 =	sadd.s32 $0x51200, s10  }
0x17: {  	s19 =	simm.s32 $0x16D80;
	s5 =	sadd.s32 s6, s18;
	s6 =	sadd.s32 s7, s12  }
0x18: {  	s7 =	smax.u32 s11, $0x1;
	s10 =	sshrl.u32 s20, $0x3;
	s11 =	simm.s32 $0x3  }
0x19: {  	s12 =	simm.s32 $0x13C00;
	s18 =	simm.s32 $0x16D00;
	[dreg:$0xf] =	wrdreg s19  }
0x1a: {  	s19 =	simm.s32 $0x16E80;
	s20 =	simm.s32 $0x16F00;
	s22 =	sadd.s32 s22, s23  }
0x1b: {  	s23 =	simm.s32 $0x0;
	[dreg:$0xe] =	wrdreg s18;
	s18 =	simm.s32 $0x2  }
.LBB2_1:
0x1c: {  	[spmem:s10], [sflag:s9] =	dma.local [hbm:s8], $0x2780  }
0x1d: {  	_ =	swait.ge [sflag:s11], $0x2780  }
0x1e: {  	[sflag:s11] =	ssyncset.done $0x0  }
0x1f: {  	[sflag:s11] =	ssyncadd.s32 $0xFFFFD880  }
0x20: {  	[tilespmem:s12], [sflag:$0x3] =	stream.linear.gather [hbm4b:s5+s2], $0x2880, $0x38;
	[tilespmem:$0x1F000] =	vst v63  }
0x21: {  	_ =	swait.ge [sflag:s11], $0x2880  }
0x22: {  	[sflag:s11] =	ssyncset.done $0x0  }
0x23: {  	[sflag:s11] =	ssyncadd.s32 $0xFFFFD780  }
0x24: {  	[bflag:$0x0] =	sbarrier.arrive $0xFFFF  }
0x25: {  	[tilespmem:s14], [sflag:$0x1] =	stream.indirect.gather [hbm4b:s4+s13], $0x80, s12, s13, $0xb8;
	[tilespmem:$0x1F000] =	vst v63  }
0x26: {  	_ = 	snop  }
0x27: {  	[tilespmem:s15], [sflag:$0x3] =	stream.linear.gather [hbm4b:s6+s2], $0x800, $0x38;
	[tilespmem:$0x1F000] =	vst v63  }
0x28: {  	_ =	swait.ge [sflag:s11], $0x800  }
0x29: {  	[sflag:s11] =	ssyncset.done $0x0  }
0x2a: {  	s24 =	simm.s32 $0x13C80;
	[sflag:s11] =	ssyncadd.s32 $0xFFFFF800  }
0x2b: {  	[tilespmem:s16], [sflag:$0x2] =	stream.indirect.gather [hbm4b:s4+s13], $0x80, s24, s13, $0xb8;
	[tilespmem:$0x1F000] =	vst v63  }
0x2c: {  	_ =	swait.ge [sflag:s17], $0x4000  }
0x2d: {  	[sflag:s17] =	ssyncset.done $0x0  }
0x2e: {  	[sflag:s17] =	ssyncadd.s32 $0xFFFFC000  }
0x2f: {  	[spmem:s1] =	stream.indirect.scatter.add.f32 [tilespmem:s14], [sflag:$0x3], $0x80, s15, s13, $0xb8;
	[tilespmem:$0x1F000] =	vst v63  }
0x30: {  	_ =	swait.ge [sflag:s11], $0x4000  }
0x31: {  	[sflag:s11] =	ssyncset.done $0x0  }
0x32: {  	s29 =	simm.s32 $0x13D00;
	[sflag:s11] =	ssyncadd.s32 $0xFFFFC000  }
0x33: {  	[tilespmem:s14], [sflag:$0x1] =	stream.indirect.gather [hbm4b:s4+s13], $0x80, s29, s13, $0xb8;
	[tilespmem:$0x1F000] =	vst v63  }
0x34: {  	_ =	swait.ge [sflag:s18], $0x4000  }
0x35: {  	[sflag:s18] =	ssyncset.done $0x0  }
0x36: {  	s30 =	rddreg [dreg:$0x5];
	[sflag:s18] =	ssyncadd.s32 $0xFFFFC000  }
0x37: {  	[spmem:s1] =	stream.indirect.scatter.add.f32 [tilespmem:s16], [sflag:$0x3], $0x80, s30, s13, $0xb8;
	[tilespmem:$0x1F000] =	vst v63  }
0x38: {  	_ =	swait.ge [sflag:s11], $0x4000  }
0x39: {  	[sflag:s11] =	ssyncset.done $0x0  }
0x3a: {  	s31 =	simm.s32 $0x13D80;
	[sflag:s11] =	ssyncadd.s32 $0xFFFFC000  }
0x3b: {  	[tilespmem:s16], [sflag:$0x2] =	stream.indirect.gather [hbm4b:s4+s13], $0x80, s31, s13, $0xb8;
	[tilespmem:$0x1F000] =	vst v63  }
0x3c: {  	_ =	swait.ge [sflag:s17], $0x4000  }
0x3d: {  	[sflag:s17] =	ssyncset.done $0x0  }
0x3e: {  	s25 =	rddreg [dreg:$0x6];
	[sflag:s17] =	ssyncadd.s32 $0xFFFFC000  }
0x3f: {  	[spmem:s1] =	stream.indirect.scatter.add.f32 [tilespmem:s14], [sflag:$0x3], $0x80, s25, s13, $0xb8;
	[tilespmem:$0x1F000] =	vst v63  }
0x40: {  	_ =	swait.ge [sflag:s11], $0x4000  }
0x41: {  	[sflag:s11] =	ssyncset.done $0x0  }
0x42: {  	s26 =	simm.s32 $0x13E00;
	[sflag:s11] =	ssyncadd.s32 $0xFFFFC000  }
0x43: {  	[tilespmem:s14], [sflag:$0x1] =	stream.indirect.gather [hbm4b:s4+s13], $0x80, s26, s13, $0xb8;
	[tilespmem:$0x1F000] =	vst v63  }
0x44: {  	_ =	swait.ge [sflag:s18], $0x4000  }
0x45: {  	[sflag:s18] =	ssyncset.done $0x0  }
0x46: {  	s28 =	rddreg [dreg:$0x7];
	[sflag:s18] =	ssyncadd.s32 $0xFFFFC000  }
0x47: {  	[spmem:s1] =	stream.indirect.scatter.add.f32 [tilespmem:s16], [sflag:$0x3], $0x80, s28, s13, $0xb8;
	[tilespmem:$0x1F000] =	vst v63  }
0x48: {  	_ =	swait.ge [sflag:s11], $0x4000  }
0x49: {  	[sflag:s11] =	ssyncset.done $0x0  }
0x4a: {  	s29 =	simm.s32 $0x13E80;
	[sflag:s11] =	ssyncadd.s32 $0xFFFFC000  }
0x4b: {  	[tilespmem:s16], [sflag:$0x2] =	stream.indirect.gather [hbm4b:s4+s13], $0x80, s29, s13, $0xb8;
	[tilespmem:$0x1F000] =	vst v63  }
0x4c: {  	_ =	swait.ge [sflag:s17], $0x4000  }
0x4d: {  	[sflag:s17] =	ssyncset.done $0x0  }
0x4e: {  	s30 =	rddreg [dreg:$0x8];
	[sflag:s17] =	ssyncadd.s32 $0xFFFFC000  }
0x4f: {  	[spmem:s1] =	stream.indirect.scatter.add.f32 [tilespmem:s14], [sflag:$0x3], $0x80, s30, s13, $0xb8;
	[tilespmem:$0x1F000] =	vst v63  }
0x50: {  	_ =	swait.ge [sflag:s11], $0x4000  }
0x51: {  	[sflag:s11] =	ssyncset.done $0x0  }
0x52: {  	s31 =	simm.s32 $0x13F00;
	[sflag:s11] =	ssyncadd.s32 $0xFFFFC000  }
0x53: {  	[tilespmem:s14], [sflag:$0x1] =	stream.indirect.gather [hbm4b:s4+s13], $0x80, s31, s13, $0xb8;
	[tilespmem:$0x1F000] =	vst v63  }
0x54: {  	_ =	swait.ge [sflag:s18], $0x4000  }
0x55: {  	[sflag:s18] =	ssyncset.done $0x0  }
0x56: {  	s25 =	rddreg [dreg:$0x9];
	[sflag:s18] =	ssyncadd.s32 $0xFFFFC000  }
0x57: {  	[spmem:s1] =	stream.indirect.scatter.add.f32 [tilespmem:s16], [sflag:$0x3], $0x80, s25, s13, $0xb8;
	[tilespmem:$0x1F000] =	vst v63  }
0x58: {  	_ =	swait.ge [sflag:s11], $0x4000  }
0x59: {  	[sflag:s11] =	ssyncset.done $0x0  }
0x5a: {  	s26 =	simm.s32 $0x13F80;
	[sflag:s11] =	ssyncadd.s32 $0xFFFFC000  }
0x5b: {  	[tilespmem:s16], [sflag:$0x2] =	stream.indirect.gather [hbm4b:s4+s13], $0x80, s26, s13, $0xb8;
	[tilespmem:$0x1F000] =	vst v63  }
0x5c: {  	_ =	swait.ge [sflag:s17], $0x4000  }
0x5d: {  	[sflag:s17] =	ssyncset.done $0x0  }
0x5e: {  	s28 =	rddreg [dreg:$0xa];
	[sflag:s17] =	ssyncadd.s32 $0xFFFFC000  }
0x5f: {  	[spmem:s1] =	stream.indirect.scatter.add.f32 [tilespmem:s14], [sflag:$0x3], $0x80, s28, s13, $0xb8;
	[tilespmem:$0x1F000] =	vst v63  }
0x60: {  	_ =	swait.ge [sflag:s11], $0x4000  }
0x61: {  	[sflag:s11] =	ssyncset.done $0x0  }
0x62: {  	s29 =	simm.s32 $0x14000;
	[sflag:s11] =	ssyncadd.s32 $0xFFFFC000  }
0x63: {  	[tilespmem:s14], [sflag:$0x1] =	stream.indirect.gather [hbm4b:s4+s13], $0x80, s29, s13, $0xb8;
	[tilespmem:$0x1F000] =	vst v63  }
0x64: {  	_ =	swait.ge [sflag:s18], $0x4000  }
0x65: {  	[sflag:s18] =	ssyncset.done $0x0  }
0x66: {  	s30 =	rddreg [dreg:$0xb];
	[sflag:s18] =	ssyncadd.s32 $0xFFFFC000  }
0x67: {  	[spmem:s1] =	stream.indirect.scatter.add.f32 [tilespmem:s16], [sflag:$0x3], $0x80, s30, s13, $0xb8;
	[tilespmem:$0x1F000] =	vst v63  }
0x68: {  	_ =	swait.ge [sflag:s11], $0x4000  }
0x69: {  	[sflag:s11] =	ssyncset.done $0x0  }
0x6a: {  	s31 =	simm.s32 $0x14080;
	[sflag:s11] =	ssyncadd.s32 $0xFFFFC000  }
0x6b: {  	[tilespmem:s16], [sflag:$0x2] =	stream.indirect.gather [hbm4b:s4+s13], $0x80, s31, s13, $0xb8;
	[tilespmem:$0x1F000] =	vst v63  }
0x6c: {  	_ =	swait.ge [sflag:s17], $0x4000  }
0x6d: {  	[sflag:s17] =	ssyncset.done $0x0  }
0x6e: {  	s25 =	rddreg [dreg:$0xc];
	[sflag:s17] =	ssyncadd.s32 $0xFFFFC000  }
0x6f: {  	[spmem:s1] =	stream.indirect.scatter.add.f32 [tilespmem:s14], [sflag:$0x3], $0x80, s25, s13, $0xb8;
	[tilespmem:$0x1F000] =	vst v63  }
0x70: {  	_ =	swait.ge [sflag:s11], $0x4000  }
0x71: {  	[sflag:s11] =	ssyncset.done $0x0  }
0x72: {  	s26 =	simm.s32 $0x14100;
	[sflag:s11] =	ssyncadd.s32 $0xFFFFC000  }
0x73: {  	[tilespmem:s14], [sflag:$0x1] =	stream.indirect.gather [hbm4b:s4+s13], $0x80, s26, s13, $0xb8;
	[tilespmem:$0x1F000] =	vst v63  }
0x74: {  	_ =	swait.ge [sflag:s18], $0x4000  }
0x75: {  	[sflag:s18] =	ssyncset.done $0x0  }
0x76: {  	s28 =	rddreg [dreg:$0xd];
	[sflag:s18] =	ssyncadd.s32 $0xFFFFC000  }
0x77: {  	[spmem:s1] =	stream.indirect.scatter.add.f32 [tilespmem:s16], [sflag:$0x3], $0x80, s28, s13, $0xb8;
	[tilespmem:$0x1F000] =	vst v63  }
0x78: {  	_ =	swait.ge [sflag:s11], $0x4000  }
0x79: {  	[sflag:s11] =	ssyncset.done $0x0  }
0x7a: {  	s29 =	simm.s32 $0x14180;
	[sflag:s11] =	ssyncadd.s32 $0xFFFFC000  }
0x7b: {  	[tilespmem:s16], [sflag:$0x2] =	stream.indirect.gather [hbm4b:s4+s13], $0x80, s29, s13, $0xb8;
	[tilespmem:$0x1F000] =	vst v63  }
0x7c: {  	_ =	swait.ge [sflag:s17], $0x4000  }
0x7d: {  	[sflag:s17] =	ssyncset.done $0x0  }
0x7e: {  	s30 =	rddreg [dreg:$0xe];
	[sflag:s17] =	ssyncadd.s32 $0xFFFFC000  }
0x7f: {  	[spmem:s1] =	stream.indirect.scatter.add.f32 [tilespmem:s14], [sflag:$0x3], $0x80, s30, s13, $0xb8;
	[tilespmem:$0x1F000] =	vst v63  }
0x80: {  	_ =	swait.ge [sflag:s11], $0x4000  }
0x81: {  	[sflag:s11] =	ssyncset.done $0x0  }
0x82: {  	s31 =	simm.s32 $0x14200;
	[sflag:s11] =	ssyncadd.s32 $0xFFFFC000  }
0x83: {  	[tilespmem:s14], [sflag:$0x1] =	stream.indirect.gather [hbm4b:s4+s13], $0x80, s31, s13, $0xb8;
	[tilespmem:$0x1F000] =	vst v63  }
0x84: {  	_ =	swait.ge [sflag:s18], $0x4000  }
0x85: {  	[sflag:s18] =	ssyncset.done $0x0  }
0x86: {  	s25 =	rddreg [dreg:$0xf];
	[sflag:s18] =	ssyncadd.s32 $0xFFFFC000  }
0x87: {  	[spmem:s1] =	stream.indirect.scatter.add.f32 [tilespmem:s16], [sflag:$0x3], $0x80, s25, s13, $0xb8;
	[tilespmem:$0x1F000] =	vst v63  }
0x88: {  	_ =	swait.ge [sflag:s11], $0x4000  }
0x89: {  	[sflag:s11] =	ssyncset.done $0x0  }
0x8a: {  	s26 =	simm.s32 $0x14280;
	[sflag:s11] =	ssyncadd.s32 $0xFFFFC000  }
0x8b: {  	[tilespmem:s16], [sflag:$0x2] =	stream.indirect.gather [hbm4b:s4+s13], $0x80, s26, s13, $0xb8;
	[tilespmem:$0x1F000] =	vst v63  }
0x8c: {  	_ =	swait.ge [sflag:s17], $0x4000  }
0x8d: {  	[sflag:s17] =	ssyncset.done $0x0  }
0x8e: {  	s28 =	rddreg [dreg:$0x10];
	[sflag:s17] =	ssyncadd.s32 $0xFFFFC000  }
0x8f: {  	[spmem:s1] =	stream.indirect.scatter.add.f32 [tilespmem:s14], [sflag:$0x3], $0x80, s28, s13, $0xb8;
	[tilespmem:$0x1F000] =	vst v63  }
0x90: {  	_ =	swait.ge [sflag:s11], $0x4000  }
0x91: {  	[sflag:s11] =	ssyncset.done $0x0  }
0x92: {  	s29 =	simm.s32 $0x14300;
	[sflag:s11] =	ssyncadd.s32 $0xFFFFC000  }
0x93: {  	[tilespmem:s14], [sflag:$0x1] =	stream.indirect.gather [hbm4b:s4+s13], $0x80, s29, s13, $0xb8;
	[tilespmem:$0x1F000] =	vst v63  }
0x94: {  	_ =	swait.ge [sflag:s18], $0x4000  }
0x95: {  	[sflag:s18] =	ssyncset.done $0x0  }
0x96: {  	[sflag:s18] =	ssyncadd.s32 $0xFFFFC000  }
0x97: {  	[spmem:s1] =	stream.indirect.scatter.add.f32 [tilespmem:s16], [sflag:$0x3], $0x80, s19, s13, $0xb8;
	[tilespmem:$0x1F000] =	vst v63  }
0x98: {  	_ =	swait.ge [sflag:s11], $0x4000  }
0x99: {  	[sflag:s11] =	ssyncset.done $0x0  }
0x9a: {  	s30 =	simm.s32 $0x14380;
	[sflag:s11] =	ssyncadd.s32 $0xFFFFC000  }
0x9b: {  	[tilespmem:s16], [sflag:$0x2] =	stream.indirect.gather [hbm4b:s4+s13], $0x80, s30, s13, $0xb8;
	[tilespmem:$0x1F000] =	vst v63  }
0x9c: {  	_ =	swait.ge [sflag:s17], $0x4000  }
0x9d: {  	[sflag:s17] =	ssyncset.done $0x0  }
0x9e: {  	[sflag:s17] =	ssyncadd.s32 $0xFFFFC000  }
0x9f: {  	[spmem:s1] =	stream.indirect.scatter.add.f32 [tilespmem:s14], [sflag:$0x3], $0x80, s20, s13, $0xb8;
	[tilespmem:$0x1F000] =	vst v63  }
0xa0: {  	_ =	swait.ge [sflag:s11], $0x4000  }
0xa1: {  	[sflag:s11] =	ssyncset.done $0x0  }
0xa2: {  	s31 =	simm.s32 $0x14400;
	[sflag:s11] =	ssyncadd.s32 $0xFFFFC000  }
0xa3: {  	[tilespmem:s14], [sflag:$0x1] =	stream.indirect.gather [hbm4b:s4+s13], $0x80, s31, s13, $0xb8;
	[tilespmem:$0x1F000] =	vst v63  }
0xa4: {  	_ =	swait.ge [sflag:s18], $0x4000  }
0xa5: {  	[sflag:s18] =	ssyncset.done $0x0  }
0xa6: {  	[sflag:s18] =	ssyncadd.s32 $0xFFFFC000  }
0xa7: {  	[spmem:s1] =	stream.indirect.scatter.add.f32 [tilespmem:s16], [sflag:$0x3], $0x80, s21, s13, $0xb8;
	[tilespmem:$0x1F000] =	vst v63  }
0xa8: {  	_ =	swait.ge [sflag:s11], $0x4000  }
0xa9: {  	s24 =	simm.s32 $0x2000;
	s25 =	smov.u32 s6;
	[sflag:s11] =	ssyncset.done $0x0  }
.LBB2_2:
0xaa: {  	[sflag:s11] =	ssyncadd.s32 $0xFFFFC000;
	s25 =	sadd.s32 $0x100, s25  }
0xab: {  	[tilespmem:s15], [sflag:$0x3] =	stream.linear.gather [hbm4b:s25+s2], $0x800, $0x38;
	[tilespmem:$0x1F000] =	vst v63  }
0xac: {  	s26 =	smov.u32 s24;
	_ =	swait.ge [sflag:s11], $0x800  }
0xad: {  	s26 =	sshra.s32 s26, $0x2;
	[sflag:s11] =	ssyncset.done $0x0  }
0xae: {  	s28 =	sadd.s32 $0x13C80, s26;
	[sflag:s11] =	ssyncadd.s32 $0xFFFFF800  }
0xaf: {  	[tilespmem:s16], [sflag:$0x2] =	stream.indirect.gather [hbm4b:s4+s13], $0x80, s28, s13, $0xb8;
	[tilespmem:$0x1F000] =	vst v63  }
0xb0: {  	_ =	swait.ge [sflag:s17], $0x4000  }
0xb1: {  	[sflag:s17] =	ssyncset.done $0x0  }
0xb2: {  	[sflag:s17] =	ssyncadd.s32 $0xFFFFC000  }
0xb3: {  	[spmem:s1] =	stream.indirect.scatter.add.f32 [tilespmem:s14], [sflag:$0x3], $0x80, s15, s13, $0xb8;
	[tilespmem:$0x1F000] =	vst v63  }
0xb4: {  	_ =	swait.ge [sflag:s11], $0x4000  }
0xb5: {  	[sflag:s11] =	ssyncset.done $0x0  }
0xb6: {  	s30 =	sadd.s32 $0x13D00, s26;
	[sflag:s11] =	ssyncadd.s32 $0xFFFFC000  }
0xb7: {  	[tilespmem:s14], [sflag:$0x1] =	stream.indirect.gather [hbm4b:s4+s13], $0x80, s30, s13, $0xb8;
	[tilespmem:$0x1F000] =	vst v63  }
0xb8: {  	_ =	swait.ge [sflag:s18], $0x4000  }
0xb9: {  	[sflag:s18] =	ssyncset.done $0x0  }
0xba: {  	s31 =	rddreg [dreg:$0x5];
	[sflag:s18] =	ssyncadd.s32 $0xFFFFC000  }
0xbb: {  	[spmem:s1] =	stream.indirect.scatter.add.f32 [tilespmem:s16], [sflag:$0x3], $0x80, s31, s13, $0xb8;
	[tilespmem:$0x1F000] =	vst v63  }
0xbc: {  	_ =	swait.ge [sflag:s11], $0x4000  }
0xbd: {  	[sflag:s11] =	ssyncset.done $0x0  }
0xbe: {  	s29 =	sadd.s32 $0x13D80, s26;
	[sflag:s11] =	ssyncadd.s32 $0xFFFFC000  }
0xbf: {  	[tilespmem:s16], [sflag:$0x2] =	stream.indirect.gather [hbm4b:s4+s13], $0x80, s29, s13, $0xb8;
	[tilespmem:$0x1F000] =	vst v63  }
0xc0: {  	_ =	swait.ge [sflag:s17], $0x4000  }
0xc1: {  	[sflag:s17] =	ssyncset.done $0x0  }
0xc2: {  	s30 =	rddreg [dreg:$0x6];
	[sflag:s17] =	ssyncadd.s32 $0xFFFFC000  }
0xc3: {  	[spmem:s1] =	stream.indirect.scatter.add.f32 [tilespmem:s14], [sflag:$0x3], $0x80, s30, s13, $0xb8;
	[tilespmem:$0x1F000] =	vst v63  }
0xc4: {  	_ =	swait.ge [sflag:s11], $0x4000  }
0xc5: {  	[sflag:s11] =	ssyncset.done $0x0  }
0xc6: {  	s31 =	sadd.s32 $0x13E00, s26;
	[sflag:s11] =	ssyncadd.s32 $0xFFFFC000  }
0xc7: {  	[tilespmem:s14], [sflag:$0x1] =	stream.indirect.gather [hbm4b:s4+s13], $0x80, s31, s13, $0xb8;
	[tilespmem:$0x1F000] =	vst v63  }
0xc8: {  	_ =	swait.ge [sflag:s18], $0x4000  }
0xc9: {  	[sflag:s18] =	ssyncset.done $0x0  }
0xca: {  	s29 =	rddreg [dreg:$0x7];
	[sflag:s18] =	ssyncadd.s32 $0xFFFFC000  }
0xcb: {  	[spmem:s1] =	stream.indirect.scatter.add.f32 [tilespmem:s16], [sflag:$0x3], $0x80, s29, s13, $0xb8;
	[tilespmem:$0x1F000] =	vst v63  }
0xcc: {  	_ =	swait.ge [sflag:s11], $0x4000  }
0xcd: {  	[sflag:s11] =	ssyncset.done $0x0  }
0xce: {  	s30 =	sadd.s32 $0x13E80, s26;
	[sflag:s11] =	ssyncadd.s32 $0xFFFFC000  }
0xcf: {  	[tilespmem:s16], [sflag:$0x2] =	stream.indirect.gather [hbm4b:s4+s13], $0x80, s30, s13, $0xb8;
	[tilespmem:$0x1F000] =	vst v63  }
0xd0: {  	_ =	swait.ge [sflag:s17], $0x4000  }
0xd1: {  	[sflag:s17] =	ssyncset.done $0x0  }
0xd2: {  	s31 =	rddreg [dreg:$0x8];
	[sflag:s17] =	ssyncadd.s32 $0xFFFFC000  }
0xd3: {  	[spmem:s1] =	stream.indirect.scatter.add.f32 [tilespmem:s14], [sflag:$0x3], $0x80, s31, s13, $0xb8;
	[tilespmem:$0x1F000] =	vst v63  }
0xd4: {  	_ =	swait.ge [sflag:s11], $0x4000  }
0xd5: {  	[sflag:s11] =	ssyncset.done $0x0  }
0xd6: {  	s29 =	sadd.s32 $0x13F00, s26;
	[sflag:s11] =	ssyncadd.s32 $0xFFFFC000  }
0xd7: {  	[tilespmem:s14], [sflag:$0x1] =	stream.indirect.gather [hbm4b:s4+s13], $0x80, s29, s13, $0xb8;
	[tilespmem:$0x1F000] =	vst v63  }
0xd8: {  	_ =	swait.ge [sflag:s18], $0x4000  }
0xd9: {  	[sflag:s18] =	ssyncset.done $0x0  }
0xda: {  	s30 =	rddreg [dreg:$0x9];
	[sflag:s18] =	ssyncadd.s32 $0xFFFFC000  }
0xdb: {  	[spmem:s1] =	stream.indirect.scatter.add.f32 [tilespmem:s16], [sflag:$0x3], $0x80, s30, s13, $0xb8;
	[tilespmem:$0x1F000] =	vst v63  }
0xdc: {  	_ =	swait.ge [sflag:s11], $0x4000  }
0xdd: {  	[sflag:s11] =	ssyncset.done $0x0  }
0xde: {  	s31 =	sadd.s32 $0x13F80, s26;
	[sflag:s11] =	ssyncadd.s32 $0xFFFFC000  }
0xdf: {  	[tilespmem:s16], [sflag:$0x2] =	stream.indirect.gather [hbm4b:s4+s13], $0x80, s31, s13, $0xb8;
	[tilespmem:$0x1F000] =	vst v63  }
0xe0: {  	_ =	swait.ge [sflag:s17], $0x4000  }
0xe1: {  	[sflag:s17] =	ssyncset.done $0x0  }
0xe2: {  	s29 =	rddreg [dreg:$0xa];
	[sflag:s17] =	ssyncadd.s32 $0xFFFFC000  }
0xe3: {  	[spmem:s1] =	stream.indirect.scatter.add.f32 [tilespmem:s14], [sflag:$0x3], $0x80, s29, s13, $0xb8;
	[tilespmem:$0x1F000] =	vst v63  }
0xe4: {  	_ =	swait.ge [sflag:s11], $0x4000  }
0xe5: {  	[sflag:s11] =	ssyncset.done $0x0  }
0xe6: {  	s30 =	sadd.s32 $0x14000, s26;
	[sflag:s11] =	ssyncadd.s32 $0xFFFFC000  }
0xe7: {  	[tilespmem:s14], [sflag:$0x1] =	stream.indirect.gather [hbm4b:s4+s13], $0x80, s30, s13, $0xb8;
	[tilespmem:$0x1F000] =	vst v63  }
0xe8: {  	_ =	swait.ge [sflag:s18], $0x4000  }
0xe9: {  	[sflag:s18] =	ssyncset.done $0x0  }
0xea: {  	s31 =	rddreg [dreg:$0xb];
	[sflag:s18] =	ssyncadd.s32 $0xFFFFC000  }
0xeb: {  	[spmem:s1] =	stream.indirect.scatter.add.f32 [tilespmem:s16], [sflag:$0x3], $0x80, s31, s13, $0xb8;
	[tilespmem:$0x1F000] =	vst v63  }
0xec: {  	_ =	swait.ge [sflag:s11], $0x4000  }
0xed: {  	[sflag:s11] =	ssyncset.done $0x0  }
0xee: {  	s29 =	sadd.s32 $0x14080, s26;
	[sflag:s11] =	ssyncadd.s32 $0xFFFFC000  }
0xef: {  	[tilespmem:s16], [sflag:$0x2] =	stream.indirect.gather [hbm4b:s4+s13], $0x80, s29, s13, $0xb8;
	[tilespmem:$0x1F000] =	vst v63  }
0xf0: {  	_ =	swait.ge [sflag:s17], $0x4000  }
0xf1: {  	[sflag:s17] =	ssyncset.done $0x0  }
0xf2: {  	s30 =	rddreg [dreg:$0xc];
	[sflag:s17] =	ssyncadd.s32 $0xFFFFC000  }
0xf3: {  	[spmem:s1] =	stream.indirect.scatter.add.f32 [tilespmem:s14], [sflag:$0x3], $0x80, s30, s13, $0xb8;
	[tilespmem:$0x1F000] =	vst v63  }
0xf4: {  	_ =	swait.ge [sflag:s11], $0x4000  }
0xf5: {  	[sflag:s11] =	ssyncset.done $0x0  }
0xf6: {  	s31 =	sadd.s32 $0x14100, s26;
	[sflag:s11] =	ssyncadd.s32 $0xFFFFC000  }
0xf7: {  	[tilespmem:s14], [sflag:$0x1] =	stream.indirect.gather [hbm4b:s4+s13], $0x80, s31, s13, $0xb8;
	[tilespmem:$0x1F000] =	vst v63  }
0xf8: {  	_ =	swait.ge [sflag:s18], $0x4000  }
0xf9: {  	[sflag:s18] =	ssyncset.done $0x0  }
0xfa: {  	s29 =	rddreg [dreg:$0xd];
	[sflag:s18] =	ssyncadd.s32 $0xFFFFC000  }
0xfb: {  	[spmem:s1] =	stream.indirect.scatter.add.f32 [tilespmem:s16], [sflag:$0x3], $0x80, s29, s13, $0xb8;
	[tilespmem:$0x1F000] =	vst v63  }
0xfc: {  	_ =	swait.ge [sflag:s11], $0x4000  }
0xfd: {  	[sflag:s11] =	ssyncset.done $0x0  }
0xfe: {  	s30 =	sadd.s32 $0x14180, s26;
	[sflag:s11] =	ssyncadd.s32 $0xFFFFC000  }
0xff: {  	[tilespmem:s16], [sflag:$0x2] =	stream.indirect.gather [hbm4b:s4+s13], $0x80, s30, s13, $0xb8;
	[tilespmem:$0x1F000] =	vst v63  }
0x100: {  	_ =	swait.ge [sflag:s17], $0x4000  }
0x101: {  	[sflag:s17] =	ssyncset.done $0x0  }
0x102: {  	s31 =	rddreg [dreg:$0xe];
	[sflag:s17] =	ssyncadd.s32 $0xFFFFC000  }
0x103: {  	[spmem:s1] =	stream.indirect.scatter.add.f32 [tilespmem:s14], [sflag:$0x3], $0x80, s31, s13, $0xb8;
	[tilespmem:$0x1F000] =	vst v63  }
0x104: {  	_ =	swait.ge [sflag:s11], $0x4000  }
0x105: {  	[sflag:s11] =	ssyncset.done $0x0  }
0x106: {  	s29 =	sadd.s32 $0x14200, s26;
	[sflag:s11] =	ssyncadd.s32 $0xFFFFC000  }
0x107: {  	[tilespmem:s14], [sflag:$0x1] =	stream.indirect.gather [hbm4b:s4+s13], $0x80, s29, s13, $0xb8;
	[tilespmem:$0x1F000] =	vst v63  }
0x108: {  	_ =	swait.ge [sflag:s18], $0x4000  }
0x109: {  	[sflag:s18] =	ssyncset.done $0x0  }
0x10a: {  	s30 =	rddreg [dreg:$0xf];
	[sflag:s18] =	ssyncadd.s32 $0xFFFFC000  }
0x10b: {  	[spmem:s1] =	stream.indirect.scatter.add.f32 [tilespmem:s16], [sflag:$0x3], $0x80, s30, s13, $0xb8;
	[tilespmem:$0x1F000] =	vst v63  }
0x10c: {  	_ =	swait.ge [sflag:s11], $0x4000  }
0x10d: {  	[sflag:s11] =	ssyncset.done $0x0  }
0x10e: {  	s31 =	sadd.s32 $0x14280, s26;
	[sflag:s11] =	ssyncadd.s32 $0xFFFFC000  }
0x10f: {  	[tilespmem:s16], [sflag:$0x2] =	stream.indirect.gather [hbm4b:s4+s13], $0x80, s31, s13, $0xb8;
	[tilespmem:$0x1F000] =	vst v63  }
0x110: {  	_ =	swait.ge [sflag:s17], $0x4000  }
0x111: {  	[sflag:s17] =	ssyncset.done $0x0  }
0x112: {  	s29 =	rddreg [dreg:$0x10];
	[sflag:s17] =	ssyncadd.s32 $0xFFFFC000  }
0x113: {  	[spmem:s1] =	stream.indirect.scatter.add.f32 [tilespmem:s14], [sflag:$0x3], $0x80, s29, s13, $0xb8;
	[tilespmem:$0x1F000] =	vst v63  }
0x114: {  	_ =	swait.ge [sflag:s11], $0x4000  }
0x115: {  	[sflag:s11] =	ssyncset.done $0x0  }
0x116: {  	s30 =	sadd.s32 $0x14300, s26;
	[sflag:s11] =	ssyncadd.s32 $0xFFFFC000  }
0x117: {  	[tilespmem:s14], [sflag:$0x1] =	stream.indirect.gather [hbm4b:s4+s13], $0x80, s30, s13, $0xb8;
	[tilespmem:$0x1F000] =	vst v63  }
0x118: {  	_ =	swait.ge [sflag:s18], $0x4000  }
0x119: {  	[sflag:s18] =	ssyncset.done $0x0  }
0x11a: {  	[sflag:s18] =	ssyncadd.s32 $0xFFFFC000  }
0x11b: {  	[spmem:s1] =	stream.indirect.scatter.add.f32 [tilespmem:s16], [sflag:$0x3], $0x80, s19, s13, $0xb8;
	[tilespmem:$0x1F000] =	vst v63  }
0x11c: {  	_ =	swait.ge [sflag:s11], $0x4000  }
0x11d: {  	[sflag:s11] =	ssyncset.done $0x0  }
0x11e: {  	s31 =	sadd.s32 $0x14380, s26;
	[sflag:s11] =	ssyncadd.s32 $0xFFFFC000  }
0x11f: {  	[tilespmem:s16], [sflag:$0x2] =	stream.indirect.gather [hbm4b:s4+s13], $0x80, s31, s13, $0xb8;
	[tilespmem:$0x1F000] =	vst v63  }
0x120: {  	_ =	swait.ge [sflag:s17], $0x4000  }
0x121: {  	[sflag:s17] =	ssyncset.done $0x0  }
0x122: {  	[sflag:s17] =	ssyncadd.s32 $0xFFFFC000  }
0x123: {  	[spmem:s1] =	stream.indirect.scatter.add.f32 [tilespmem:s14], [sflag:$0x3], $0x80, s20, s13, $0xb8;
	[tilespmem:$0x1F000] =	vst v63  }
0x124: {  	_ =	swait.ge [sflag:s11], $0x4000  }
0x125: {  	[sflag:s11] =	ssyncset.done $0x0  }
0x126: {  	s26 =	sadd.s32 $0x14400, s26;
	[sflag:s11] =	ssyncadd.s32 $0xFFFFC000  }
0x127: {  	[tilespmem:s14], [sflag:$0x1] =	stream.indirect.gather [hbm4b:s4+s13], $0x80, s26, s13, $0xb8;
	[tilespmem:$0x1F000] =	vst v63  }
0x128: {  	p0 =	sne.s32 s24, $0x8000;
	_ =	swait.ge [sflag:s18], $0x4000  }
.Ltmp0:
0x129: {  	[sflag:s18] =	ssyncset.done $0x0;
	(pc) =	sbr.rel @p0 .LBB2_2-.Ltmp0, $4  }
0x12a: {  	[sflag:s18] =	ssyncadd.s32 $0xFFFFC000  }
0x12b: {  	[spmem:s1] =	stream.indirect.scatter.add.f32 [tilespmem:s16], [sflag:$0x3], $0x80, s21, s13, $0xb8;
	[tilespmem:$0x1F000] =	vst v63  }
0x12c: {  	_ =	swait.ge [sflag:s11], $0x4000  }
0x12d: {  	s24 =	sadd.s32 $0x2000, s24;
	[sflag:s11] =	ssyncset.done $0x0  }
0x12e: {  	[sflag:s11] =	ssyncadd.s32 $0xFFFFC000  }
0x12f: {  	_ =	swait.ge [sflag:s17], $0x4000  }
0x130: {  	s23 =	sadd.s32 $0x1, s23;
	[sflag:s17] =	ssyncset.done $0x0  }
0x131: {  	p0 =	sne.s32 s23, s7;
	[sflag:s17] =	ssyncadd.s32 $0xFFFFC000  }
.Ltmp1:
0x132: {  	[bflag:$0x0] =	sbarrier.arrive $0xFFFF;
	(pc) =	sbr.rel @p0 .LBB2_1-.Ltmp1, $4  }
0x133: {  	[hbm:s22], [sflag:s9] =	dma.local [spmem:s10], $0x2780  }
0x134: {  	_ =	swait.ge [sflag:s11], $0x2780  }
0x135: {  	[sflag:s11] =	ssyncset.done $0x0  }
0x136: {  	[sflag:s11] =	ssyncadd.s32 $0xFFFFD880  }
0x137: {  	_ =	sfence.sel $0x180000  }
0x138: {  	[bflag:$0x0] =	sbarrier.arrive $0xFFFF  }
0x139: {  	p0 =	sne.s32 s3, $0x0;
	_ =	strace $0x9000004D  }
0x13a: {  	s0 =	sadd.s32 @!p0 $0x100000, s0;
	[bflag:$0x2] =	sbarrier.arrive $0xFFFF  }
0x13b: {  	[sflag:s0] =	ssyncadd.tile.s32 @!p0 $0x1;
	_ =	shalt  }
.Lfunc_end2:
_tile_overlayer_lowered:
.L_overlay_start_2:
0x13c: {  	(tag) =	ssettag $0x2  }
0x13d: {  	s0 =	rddreg [dreg:$0x0];
	s2 =	stileid.u32  }
0x13e: {  	s1 =	rddreg [dreg:$0x1];
	p0 =	sne.s32 s2, $0x0  }
0x13f: {  	s3 =	rddreg [dreg:$0x2];
	[bflag:$0x3] =	sbarrier.arrive $0xFFFF;
	s2 =	simm.s32 @!p0 $0x1C03  }
0x140: {  	[timem:s3], [sflag:s2] =	dma.local @!p0 [hbm:s0], s1  }
0x141: {  	s0 =	simm.s32 @!p0 $0x3  }
0x142: {  	_ =	swait.ge @!p0 [sflag:s0], s1  }
0x143: {  	s1 =	ssub.s32 @!p0 $0x0, s1;
	[sflag:s0] =	ssyncset.done @!p0 $0x0  }
0x144: {  	[sflag:s0] =	ssyncadd.s32 @!p0 s1  }
0x145: {  	[bflag:$0x3] =	sbarrier.arrive $0xFFFF  }
0x146: {  	_ =	shalt  }

// kernel: kernel.8.cloned.1.call-start
scs
__scs_entry_jumppad:
0x0: {  	(pc) =	sbr.rel $0x88, $3  }
0x1: {  	(tag) =	ssettag $0x0;
	lr =	simm.s32 $0x1  }
0x2: {  	[smem:$0x3F9E] =	sst lr;
	_ =	strace $0xD0000000  }
0x3: {  	_ = 	snop  }
0x4: {  	_ = 	snop  }
0x5: {  	_ = 	snop  }
0x6: {  	_ = 	snop  }
0x7: {  	_ = 	snop  }
__scs_overlays_trampoline_lowered:
0x8: {  	[smem:$0x3FAD] =	sst s0  }
0x9: {  	[smem:$0x3FAE] =	sst s1  }
0xa: {  	[smem:$0x3FAF] =	sst s2  }
0xb: {  	[smem:$0x3FB0] =	sst s3  }
0xc: {  	[smem:$0x3FB1] =	sst s4  }
0xd: {  	[smem:$0x3FB2] =	sst s5  }
0xe: {  	[smem:$0x3FB3] =	sst s6  }
0xf: {  	[smem:$0x3FB4] =	sst s7  }
0x10: {  	[smem:$0x3FB5] =	sst s8  }
0x11: {  	[smem:$0x3FB6] =	sst s9;
	s0 =	simm.s32 @!p0 $0x0  }
0x12: {  	s1 =	sld [smem:$0x3F9C];
	s0 =	simm.s32 @p0 $0x1  }
0x13: {  	[smem:$0x3FB7] =	sst s0;
	s0 =	simm.s32 @!p1 $0x0  }
0x14: {  	s2 =	sld [smem:$0x3F9B];
	s0 =	simm.s32 @p1 $0x1  }
0x15: {  	[smem:$0x3FB8] =	sst s0;
	s0 =	simm.s32 @!p2 $0x0  }
0x16: {  	s3 =	sld [smem:$0x3FDB];
	s0 =	simm.s32 @p2 $0x1  }
0x17: {  	s4 =	simm.s32 $0x1BF5;
	[smem:$0x3FBA] =	sst s0  }
0x18: {  	s0 =	sld [smem:$0x3F9D];
	_ =	swait.ge [sflag:s4], $0x0  }
0x19: {  	s7 =	sld [smem:$0x3F9E]  }
0x1a: {  	s8 =	sadd.s32 $0xFFFFE003, lr  }
0x1b: {  	s9 =	sadd.s32 $0xFFFFFEF7, lr;
	s5 =	simm.s32 $0xFFFFFFFF;
	p2 =	slt.u32 s8, $0xFFFFF086  }
0x1c: {  	p1 =	slt.u32 s9, $0xF7A;
	s5 =	simm.s32 @!p2 $0x0  }
0x1d: {  	s5 =	simm.s32 @p1 $0x1;
	p0 =	seq.s32 s7, s2  }
0x1e: {  	s7 =	smul.u32 @!p0 $0xF7A, s2;
	p2 =	seq.s32 @!p0 s5, $0x0  }
0x1f: {  	s9 =	smul.u32 $0xF7A, s1;
	s8 =	simm.s32 @!p0 $0x1BF5;
	p2 =	por !p2, p0  }
0x20: {  	[sflag:s8] =	ssyncset.s32 @!p0 $0xFFFFF086;
	s6 =	sadd.s32 @!p0 s3, s7;
	s7 =	simm.s32 @!p0 $0x108  }
0x21: {  	s3 =	sadd.s32 s3, s9;
	s6 =	sadd.s32 @!p0 $0x88, s6;
	s7 =	simm.s32 @p2 $0x1082  }
0x22: {  	[simem:s7], [sflag:s8] =	dma.local @!p0 [hbm:s6], $0xF7A  }
0x23: {  	s9 =	sor.u32 $0xD0000000, s2;
	s6 =	simm.s32 $0x108;
	_ =	swait.ge @!p0 [sflag:s8], $0x0  }
0x24: {  	s3 =	sadd.s32 $0x88, s3;
	s6 =	simm.s32 @!p1 $0x1082;
	[sflag:s4] =	ssyncset.s32 $0xFFFFF086  }
0x25: {  	[simem:s6], [sflag:s4] =	dma.local [hbm:s3], $0xF7A  }
0x26: {  	[smem:$0x3F9E] =	sst s1;
	(tag) =	ssettag s2;
	_ =	strace s9  }
0x27: {  	s1 =	sld [smem:$0x3FAE]  }
0x28: {  	s2 =	sld [smem:$0x3FAF]  }
0x29: {  	s4 =	sld [smem:$0x3FB1]  }
0x2a: {  	p0 =	seq.s32 s5, $0x0;
	s5 =	sld [smem:$0x3FB2]  }
0x2b: {  	s6 =	sld [smem:$0x3FB3]  }
0x2c: {  	s7 =	sld [smem:$0x3FB4]  }
0x2d: {  	s3 =	simm.s32 $0x108;
	s8 =	sld [smem:$0x3FB5]  }
0x2e: {  	s3 =	simm.s32 @!p0 $0x1082;
	s9 =	sld [smem:$0x3FB6]  }
0x2f: {  	lr =	sadd.s32 s0, s3;
	s0 =	sld [smem:$0x3FAD]  }
0x30: {  	s3 =	sld [smem:$0x3FB0]  }
0x31: {  	[smem:$0x3FB9] =	sst s10  }
0x32: {  	s10 =	sld [smem:$0x3FB7];
	_ =	sdelay $0x3  }
0x33: {  	p0 =	seq.s32 s10, $0x1;
	s10 =	sld [smem:$0x3FB9];
	_ =	sdelay $0x3  }
0x34: {  	[smem:$0x3FB9] =	sst s10  }
0x35: {  	s10 =	sld [smem:$0x3FB8];
	_ =	sdelay $0x3  }
0x36: {  	p1 =	seq.s32 s10, $0x1;
	s10 =	sld [smem:$0x3FB9];
	_ =	sdelay $0x3  }
0x37: {  	[smem:$0x3FB9] =	sst s10  }
0x38: {  	s10 =	sld [smem:$0x3FBA]  }
0x39: {  	_ = 	snop;
	(pc) =	sbr.ind lr, $3  }
0x3a: {  	_ = 	snop  }
0x3b: {  	_ = 	snop  }
0x3c: {  	p2 =	seq.s32 s10, $0x1;
	s10 =	sld [smem:$0x3FB9]  }
0x3d: {  	_ =	shalt  }
0x3e: {  	_ =	shalt  }
0x3f: {  	_ =	shalt  }
0x40: {  	_ =	shalt  }
0x41: {  	_ =	shalt  }
0x42: {  	_ =	shalt  }
0x43: {  	_ =	shalt  }
0x44: {  	_ =	shalt  }
0x45: {  	_ =	shalt  }
0x46: {  	_ =	shalt  }
0x47: {  	_ =	shalt  }
0x48: {  	_ =	shalt  }
0x49: {  	_ =	shalt  }
0x4a: {  	_ =	shalt  }
0x4b: {  	_ =	shalt  }
0x4c: {  	_ =	shalt  }
0x4d: {  	_ =	shalt  }
0x4e: {  	_ =	shalt  }
0x4f: {  	_ =	shalt  }
0x50: {  	_ =	shalt  }
0x51: {  	_ =	shalt  }
0x52: {  	_ =	shalt  }
0x53: {  	_ =	shalt  }
0x54: {  	_ =	shalt  }
0x55: {  	_ =	shalt  }
0x56: {  	_ =	shalt  }
0x57: {  	_ =	shalt  }
0x58: {  	_ =	shalt  }
0x59: {  	_ =	shalt  }
0x5a: {  	_ =	shalt  }
0x5b: {  	_ =	shalt  }
0x5c: {  	_ =	shalt  }
0x5d: {  	_ =	shalt  }
0x5e: {  	_ =	shalt  }
0x5f: {  	_ =	shalt  }
0x60: {  	_ =	shalt  }
0x61: {  	_ =	shalt  }
0x62: {  	_ =	shalt  }
0x63: {  	_ =	shalt  }
0x64: {  	_ =	shalt  }
0x65: {  	_ =	shalt  }
0x66: {  	_ =	shalt  }
0x67: {  	_ =	shalt  }
0x68: {  	_ =	shalt  }
0x69: {  	_ =	shalt  }
0x6a: {  	_ =	shalt  }
0x6b: {  	_ =	shalt  }
0x6c: {  	_ =	shalt  }
0x6d: {  	_ =	shalt  }
0x6e: {  	_ =	shalt  }
0x6f: {  	_ =	shalt  }
0x70: {  	_ =	shalt  }
0x71: {  	_ =	shalt  }
0x72: {  	_ =	shalt  }
0x73: {  	_ =	shalt  }
0x74: {  	_ =	shalt  }
0x75: {  	_ =	shalt  }
0x76: {  	_ =	shalt  }
0x77: {  	_ =	shalt  }
0x78: {  	_ =	shalt  }
0x79: {  	_ =	shalt  }
0x7a: {  	_ =	shalt  }
0x7b: {  	_ =	shalt  }
0x7c: {  	_ =	shalt  }
0x7d: {  	_ =	shalt  }
0x7e: {  	_ =	shalt  }
0x7f: {  	_ =	shalt  }
0x80: {  	_ =	shalt  }
0x81: {  	_ =	shalt  }
0x82: {  	_ =	shalt  }
0x83: {  	_ =	shalt  }
0x84: {  	_ =	shalt  }
0x85: {  	_ =	shalt  }
0x86: {  	_ =	shalt  }
0x87: {  	_ =	shalt  }
.Lfunc_end0:
.L_simem_size_0:
called_computation_lowered:
.L_overlay_start_0:
0x88: {  	s2 =	sld [smem:$0x3FD9]  }
0x89: {  	s3 =	sld [smem:$0x3FFE];
	_ =	sdelay $0x1  }
0x8a: {  	s1 =	srdreg.scid  }
0x8b: {  	s0 =	sand.u32 $0x1, s1  }
0x8c: {  	s15 =	sshll.u32 s0, $0xA;
	s2 =	sadd.s32 s3, s2  }
0x8d: {  	s2 =	sadd.s32 s2, s15  }
0x8e: {  	[smem:$0x3FC5] =	sst s2  }
0x8f: {  	_ = 	snop  }
0x90: {  	s2 =	sld [smem:$0x3FD0];
	_ =	sdelay $0x2  }
0x91: {  	s16 =	simm.s32 $0xA;
	s4 =	simm.s32 $0x10  }
0x92: {  	[smem:s4], [sflag:s16] =	dma.local [hbm:s2], $0x1  }
0x93: {  	_ =	swait.eq [sflag:s16], $0x1  }
0x94: {  	[sflag:s16] =	ssyncset.done $0x0  }
0x95: {  	s17 =	sld [smem:$0x11];
	[sflag:s16] =	ssyncadd.s32 $0xFFFFFFFF  }
0x96: {  	s18 =	sld [smem:$0x12];
	(tm) =	ssettm $0x1  }
0x97: {  	s19 =	sld [smem:$0x3FFB];
	_ =	sdelay $0x3  }
0x98: {  	_ =	strace s19  }
0x99: {  	s4 =	sld [smem:$0x3FFC];
	_ =	sdelay $0x3  }
0x9a: {  	_ =	strace s4  }
0x9b: {  	s4 =	sld [smem:$0x3FFD];
	_ =	sdelay $0x3  }
0x9c: {  	_ =	strace s4  }
0x9d: {  	_ =	strace $0x8FFFFFFF  }
0x9e: {  	s20 =	sld [smem:$0x3FDB];
	_ =	sdelay $0x1  }
0x9f: {  	s5 =	simm.s32 $_scs_section_size  }
0xa0: {  	s6 =	simm.s32 $_size__tile_overlayer_lowered;
	s7 =	simm.s32 $_tile_overlayer_lowered  }
0xa1: {  	s23 =	simm.s32 $0x1BFF;
	s22 =	sshll.u32 s7, $0x1;
	s4 =	sadd.s32 s5, s20  }
0xa2: {  	s8 =	simm.s32 $0x0;
	s21 =	sshll.u32 s6, $0x1;
	s6 =	sadd.s32 s22, s4  }
0xa3: {  	[timem:s8], [sflag:s23] =	dma.local [hbm:s6], s21  }
0xa4: {  	_ =	swait.ge [sflag:s23], s21  }
0xa5: {  	s5 =	ssub.s32 $0x0, s21;
	[sflag:s23] =	ssyncset.done $0x0  }
0xa6: {  	[sflag:s23] =	ssyncadd.s32 s5;
	_ =	sdelay $0x1  }
0xa7: {  	s24 =	simm.s32 $0x1B8B  }
0xa8: {  	_ =	swait.ge [sflag:s24], $0x1  }
0xa9: {  	[sflag:s24] =	ssyncset.done $0x0  }
0xaa: {  	s25 =	simm.s32 $0x1B8E;
	[sflag:s24] =	ssyncadd.s32 $0xFFFFFFFF  }
0xab: {  	s26 =	simm.s32 $execute0_lowered;
	[smem:$0x3FD2] =	sst s25  }
0xac: {  	s5 =	sshll.u32 s26, $0x1;
	_ =	strace $0x80000046;
	[dreg:$0x1] =	wrdreg $0xFFFFFFFF  }
0xad: {  	s28 =	simm.s32 $_size_execute0_lowered;
	s4 =	sadd.s32 s4, s5;
	[dreg:$0x0] =	wrdreg $0x0  }
0xae: {  	s5 =	sshll.u32 s28, $0x1;
	[dreg:$0x2] =	wrdreg s4  }
0xaf: {  	[dreg:$0x3] =	wrdreg s5  }
0xb0: {  	[dreg:$0x4] =	wrdreg $0xC0  }
0xb1: {  	_ =	task [dreg:s8], $0x5FFFF  }
0xb2: {  	[dreg:$0x1] =	wrdreg $0xFFFFFFFF  }
0xb3: {  	[dreg:$0x0] =	wrdreg $0x60  }
0xb4: {  	[dreg:$0x2] =	wrdreg s17  }
0xb5: {  	[dreg:$0x3] =	wrdreg s18  }
0xb6: {  	[dreg:$0x4] =	wrdreg $0x9  }
0xb7: {  	_ =	task.clear_ibuf [dreg:s8], $0x5FFFF;
	_ =	strace $0x90000046  }
0xb8: {  	s29 =	simm.s32 $0x9;
	_ =	strace $0x80000048  }
0xb9: {  	_ =	swait.ge [sflag:s29], $0x1  }
0xba: {  	[sflag:s29] =	ssyncadd.s32 $0xFFFFFFFF  }
0xbb: {  	_ =	strace $0x90000048  }
0xbc: {  	_ =	sfence  }
0xbd: {  	s30 =	sld [smem:$0x0];
	_ =	sdelay $0x2  }
0xbe: {  	s31 =	sshll.u32 s1, $0xD;
	s1 =	sshrl.u32 s1, $0x2  }
0xbf: {  	s3 =	sand.u32 $0x4000, s31;
	s1 =	sadd.s32 s1, s30  }
0xc0: {  	s0 =	sor.u32 s3, s0;
	s1 =	sshll.u32 s1, $0x11  }
0xc1: {  	s0 =	sor.u32 s1, s0  }
0xc2: {  	s0 =	sadd.s32 $0x8F2B, s0  }
0xc3: {  	[sflag:s0] =	ssyncadd.remote.s32 $0x1  }
0xc4: {  	_ =	sfence.sel $0xFFFF  }
0xc5: {  	[dreg:$0x0] =	wrdreg $0xFFFFFFFF;
	(pc) =	sbr.abs _section_cstart, $3  }
0xc6: {  	[dreg:$0x1] =	wrdreg $0xFFFFFFFF  }
0xc7: {  	_ =	task.clear_ibuf [dreg:s8], $0x2FFFF;
	_ =	strace $0x9FFFFFFF  }
0xc8: {  	(tm) =	ssettm $0x7FFFFFFF  }
0xc9: {  	_ =	shalt  }
tec
execute0_lowered:
.L_overlay_start_1:
0x0: {  	(tag) =	ssettag $0x1  }
0x1: {  	s0 =	srdreg.scid  }
0x2: {  	s4 =	rddreg [dreg:$0x0];
	s3 =	sand.u32 $0x1, s0  }
0x3: {  	s5 =	rddreg [dreg:$0x1];
	s0 =	stileid.u32;
	s1 =	sshll.u32 s3, $0x4  }
0x4: {  	s7 =	sshll.u32 s0, $0x7;
	s3 =	ssub.s32 $0x2, s3;
	s2 =	sor.u32 s0, s1  }
0x5: {  	s1 =	rddreg [dreg:$0x2];
	s7 =	sand.u32 $0x380, s7;
	s6 =	sshrl.u32 s2, $0x3  }
0x6: {  	s9 =	sshrl.u32 s3, $0x1;
	s2 =	simm.s32 $0x0;
	s8 =	smul.u32 $0x14000, s6  }
0x7: {  	s30 =	ssub.s32 s3, s9;
	[smem:$0x7FF] =	sst s2;
	s6 =	smul.u32 $0x13C00, s6  }
0x8: {  	s9 =	simm.s32 $0x2800;
	_ =	strace $0x80000047;
	s8 =	sor.u32 s7, s8  }
0x9: {  	s6 =	sor.u32 s7, s6;
	s7 =	simm.s32 $0x400;
	s8 =	sshrl.u32 s8, $0x3  }
0xa: {  	s31 =	sshrl.u32 s6, $0x3;
	s6 =	simm.s32 $0x80;
	s3 =	sadd.s32 s4, s8  }
0xb: {  	v0 =	vimm.f32 $0.0e+00;
	v1 =	vimm.f32 $1.000000000e+00;
	s4 =	sadd.s32 s5, s31;
	s5 =	smax.u32 s30, $0x1;
	s8 =	simm.s32 $0x1  }
.LBB2_1:
0xc: {  	s10 =	simm.s32 $0x40;
	s11 =	simm.s32 $0x0  }
.LBB2_2:
0xd: {  	p0 =	sne.s32 s10, $0x9DC0;
	[tilespmem:s11+$0x2800] =	vst v0;
	s11 =	smov.u32 s10;
	s10 =	sadd.s32 $0x40, s10  }
.Ltmp0:
0xe: {  	(pc) =	sbr.rel @p0 .LBB2_2-.Ltmp0, $2  }
0xf: {  	_ =	sdelay $0x2  }
0x10: {  	s11 =	sshra.s32 s11, $0x2  }
0x11: {  	[tilespmem:s11+$0x2800] =	vst v0;
	s10 =	simm.s32 $0x0  }
0x12: {  	[tilespmem:s10], [sflag:$0x1] =	stream.strided.gather [hbm4b:s3+s6], $0x2800, s7, s6, $0x38;
	[tilespmem:$0x4F80] =	vst v63  }
0x13: {  	_ =	swait.ge [sflag:s8], $0x2800  }
0x14: {  	[sflag:s8] =	ssyncset.done $0x0  }
0x15: {  	s11 =	simm.s32 $0x0;
	s10 =	simm.s32 $0x40;
	[sflag:s8] =	ssyncadd.s32 $0xFFFFD800  }
.LBB2_4:
0x16: {  	p0 =	sne.s32 s10, $0x9FC0;
	v2 =	vld [tilespmem:s11+$0x0];
	_ =	sdelay $0x3  }
.Ltmp1:
0x17: {  	(pc) =	sbr.rel @p0 .LBB2_4-.Ltmp1, $2  }
0x18: {  	_ =	sdelay $0x2  }
0x19: {  	s11 =	sshra.s32 s10, $0x2;
	s10 =	sadd.s32 $0x40, s10;
	[tilespmem:v2+s9+$0x0] =	vst.idx.add.f32.msk $0xffff, v1  }
0x1a: {  	v2 =	vld [tilespmem:s11+$0x0];
	_ =	sdelay $0x5  }
0x1b: {  	s2 =	sadd.s32 $0x1, s2  }
0x1c: {  	p0 =	sne.s32 s2, s5  }
.Ltmp2:
0x1d: {  	[tilespmem:v2+s9+$0x0] =	vst.idx.add.f32.msk $0xffff, v1;
	(pc) =	sbr.rel @p0 .LBB2_1-.Ltmp2, $4  }
0x1e: {  	[hbm4b:s4+s6] =	stream.strided.scatter [tilespmem:s9], [sflag:$0x1], $0x2780, s7, s6, $0x38;
	[tilespmem:$0x4F80] =	vst v63  }
0x1f: {  	_ =	swait.ge [sflag:s8], $0x2780  }
0x20: {  	[sflag:s8] =	ssyncset.done $0x0  }
0x21: {  	[sflag:s8] =	ssyncadd.s32 $0xFFFFD880  }
0x22: {  	_ =	sfence.sel $0x180000  }
0x23: {  	[bflag:$0x0] =	sbarrier.arrive $0xFFFF  }
0x24: {  	p0 =	sne.s32 s0, $0x0;
	_ =	strace $0x90000047  }
0x25: {  	s0 =	sadd.s32 @!p0 $0x100000, s1;
	[bflag:$0x2] =	sbarrier.arrive $0xFFFF  }
0x26: {  	[sflag:s0] =	ssyncadd.tile.s32 @!p0 $0x1;
	_ =	shalt  }
.Lfunc_end2:
_tile_overlayer_lowered:
.L_overlay_start_2:
0x27: {  	(tag) =	ssettag $0x2  }
0x28: {  	s0 =	rddreg [dreg:$0x0];
	s2 =	stileid.u32  }
0x29: {  	s1 =	rddreg [dreg:$0x1];
	p0 =	sne.s32 s2, $0x0  }
0x2a: {  	s3 =	rddreg [dreg:$0x2];
	[bflag:$0x3] =	sbarrier.arrive $0xFFFF;
	s2 =	simm.s32 @!p0 $0x1C01  }
0x2b: {  	[timem:s3], [sflag:s2] =	dma.local @!p0 [hbm:s0], s1  }
0x2c: {  	s0 =	simm.s32 @!p0 $0x1  }
0x2d: {  	_ =	swait.ge @!p0 [sflag:s0], s1  }
0x2e: {  	s1 =	ssub.s32 @!p0 $0x0, s1;
	[sflag:s0] =	ssyncset.done @!p0 $0x0  }
0x2f: {  	[sflag:s0] =	ssyncadd.s32 @!p0 s1  }
0x30: {  	[bflag:$0x3] =	sbarrier.arrive $0xFFFF  }
0x31: {  	_ =	shalt  }

</sc_bundles>
